<compile_context>
chip_gen: v7x
topology: tpu7x:2x2x1
jax: 0.10.2.dev20260603
libtpu: 0.0.44.dev20260713+nightly
codegen_flags: <defaults>
</compile_context>

<pallas_src>
import functools

import jax
import jax.numpy as jnp
from jax import lax
from jax.experimental import pallas as pl
from jax.experimental.pallas import tpu as pltpu
from jax.experimental.pallas import tpu_sc as plsc

VOCAB = 100000
D = 128

NC = 2
NS = 16
NW = NC * NS

B = 4096 * 200
B_PER_W = B // NW
CHUNK = 128
N_CHUNKS = B_PER_W // CHUNK
GPW = 2
WROWS = GPW * CHUNK
N_W = B_PER_W // WROWS
NBUF = 3


def _make_kernel():
  mesh = plsc.VectorSubcoreMesh(core_axis_name="c", subcore_axis_name="s")

  @functools.partial(
      pl.kernel,
      out_type=jax.ShapeDtypeStruct((B, D), jnp.float32),
      mesh=mesh,
      scratch_types=[
          pltpu.VMEM((N_CHUNKS, CHUNK), jnp.int32),
          [pltpu.VMEM((WROWS, D), jnp.float32)] * NBUF,
          [pltpu.SemaphoreType.DMA] * NBUF,
          [pltpu.SemaphoreType.DMA] * NBUF,
      ],
  )
  def k(x_hbm, table_hbm, out_hbm, idx_v, rows, gs, ws):
    wid = lax.axis_index("s") * NC + lax.axis_index("c")
    base = wid * B_PER_W
    pltpu.sync_copy(x_hbm.at[pl.ds(wid * N_CHUNKS, N_CHUNKS)], idx_v)

    def gather(c, b):
      for j in range(GPW):
        pltpu.async_copy(table_hbm.at[idx_v.at[GPW * c + j]],
                         rows[b].at[pl.ds(j * CHUNK, CHUNK)], gs[b])

    def wait_gather(b):
      for j in range(GPW):
        pltpu.make_async_copy(table_hbm.at[idx_v.at[0]],
                              rows[b].at[pl.ds(0, CHUNK)], gs[b]).wait()

    def write(c, b):
      pltpu.async_copy(rows[b], out_hbm.at[pl.ds(base + c * WROWS, WROWS)],
                       ws[b])

    def wait_write(b):
      pltpu.make_async_copy(rows[b], out_hbm.at[pl.ds(base, WROWS)],
                            ws[b]).wait()

    gather(0, 0)
    for c in range(NBUF - 1):
      wait_gather(c)
      gather(c + 1, c + 1)
      write(c, c)

    steady0 = NBUF - 1
    n_steady = N_W - NBUF
    n_loop = (n_steady // NBUF) * NBUF

    def step(c, b):
      wait_gather(b)
      wait_write((b + 1) % NBUF)
      gather(c + 1, (b + 1) % NBUF)
      write(c, b)

    def body(t, carry):
      for u in range(NBUF):
        step(steady0 + NBUF * t + u, (steady0 + u) % NBUF)
      return carry

    lax.fori_loop(0, n_loop // NBUF, body, 0)
    for i in range(n_steady - n_loop):
      c = steady0 + n_loop + i
      step(c, c % NBUF)

    c = N_W - 1
    wait_gather(c % NBUF)
    wait_write((c + 1) % NBUF)
    write(c, c % NBUF)
    wait_write((c + NBUF - 1) % NBUF)
    wait_write(c % NBUF)

  return k


_kernel = _make_kernel()


def kernel(x, table):
  out = _kernel(x.reshape(B // CHUNK, CHUNK).astype(jnp.int32), table)
  return out.reshape(x.shape[0], x.shape[1], D)

# --- scband reference (transcript-rebuilt; emitter-appended) ---
"""Pipeline reference for scband-embedder-5514738008573 (READ-ONLY COPY).

The authoritative reference and input builder live on the scoring server;
editing this copy changes nothing except your own understanding.
"""

import jax, jax.numpy as jnp
import numpy as np

VOCAB = 100000
D_MODEL = 128

def setup_inputs(seed: int = 0) -> dict:
    key = jax.random.key(seed)
    k1, k2 = jax.random.split(key)
    x = jax.random.randint(k1, (4096, 200), 0, VOCAB, dtype=jnp.int64 if jax.config.jax_enable_x64 else jnp.int32)
    table = jax.random.normal(k2, (VOCAB, D_MODEL), dtype=jnp.float32)
    return {"x": x, "table": table}

def reference(x, table):
    # Embedder.forward: self.embed(x.int()) -> embedding lookup
    idx = x.astype(jnp.int32)
    return jnp.take(table, idx, axis=0)

if __name__ == "__main__":
    import jax
    _d = setup_inputs()
    print(jax.jit(kernel)(*tuple(_d.values())))

</pallas_src>

<mosaic_0001>
#map = affine_map<(d0, d1) -> (0, 0)>
module attributes {stable_mosaic.version = 14 : i64} {
  func.func @k(%arg0: i32, %arg1: i32, %arg2: memref<6400x128xi32, #tpu.memory_space<hbm>>, %arg3: memref<100000x128xf32, #tpu.memory_space<hbm>>, %arg4: memref<819200x128xf32, #tpu.memory_space<hbm>>, %arg5: memref<200x128xi32, #tpu.memory_space<vmem>>, %arg6: memref<256x128xf32, #tpu.memory_space<vmem>>, %arg7: memref<256x128xf32, #tpu.memory_space<vmem>>, %arg8: memref<256x128xf32, #tpu.memory_space<vmem>>, %arg9: memref<!tpu.dma_semaphore, #tpu.memory_space<semaphore_mem>>, %arg10: memref<!tpu.dma_semaphore, #tpu.memory_space<semaphore_mem>>, %arg11: memref<!tpu.dma_semaphore, #tpu.memory_space<semaphore_mem>>, %arg12: memref<!tpu.dma_semaphore, #tpu.memory_space<semaphore_mem>>, %arg13: memref<!tpu.dma_semaphore, #tpu.memory_space<semaphore_mem>>, %arg14: memref<!tpu.dma_semaphore, #tpu.memory_space<semaphore_mem>>) attributes {dimension_semantics = [#tpu.dimension_semantics<core_parallel>, #tpu.dimension_semantics<subcore_parallel>], iteration_bounds = array<i64: 2, 16>, scalar_prefetch = 0 : i64, scratch_operands = 10 : i64, tpu.core_type = #tpu.core_type<sc_vector_subcore>, window_params = [{transform_indices = #map}, {transform_indices = #map}, {transform_indices = #map}]} {
    %mul3A = arith.constant 2 : i32
    %mul3A_0 = arith.muli %arg1, %mul3A : i32
    %add3A = arith.addi %mul3A_0, %arg0 : i32
    %mul3A_1 = arith.constant 25600 : i32
    %mul3A_2 = arith.muli %add3A, %mul3A_1 : i32
    %mul3A_3 = arith.constant 200 : i32
    %mul3A_4 = arith.muli %add3A, %mul3A_3 : i32
    "tpu.region"() ({
      %run_scoped3A = tpu.sem_alloc : memref<!tpu.dma_semaphore, #tpu.memory_space<semaphore_mem>>
      %dma_start3A_208 = arith.constant 0 : i32
      %dma_start3A_209 = tpu.memref_slice %arg2[%mul3A_4, %dma_start3A_208] : memref<6400x128xi32, #tpu.memory_space<hbm>> -> memref<200x128xi32, #tpu.memory_space<hbm>>
      %dma_start3A_210 = arith.constant 0 : i32
      %dma_start3A_211 = tpu.memref_slice %arg2[%mul3A_4, %dma_start3A_210] : memref<6400x128xi32, #tpu.memory_space<hbm>> -> memref<200x128xi32, #tpu.memory_space<hbm>>
      tpu.enqueue_dma source(%dma_start3A_211 : memref<200x128xi32, #tpu.memory_space<hbm>>) target(%arg5 : memref<200x128xi32, #tpu.memory_space<vmem>>) target_semaphore(%run_scoped3A : memref<!tpu.dma_semaphore, #tpu.memory_space<semaphore_mem>>)
      %dma_wait3A_212 = arith.constant 0 : i32
      %dma_wait3A_213 = tpu.memref_slice %arg2[%mul3A_4, %dma_wait3A_212] : memref<6400x128xi32, #tpu.memory_space<hbm>> -> memref<200x128xi32, #tpu.memory_space<hbm>>
      %dma_wait3A_214 = arith.constant 0 : i32
      %dma_wait3A_215 = tpu.memref_slice %arg2[%mul3A_4, %dma_wait3A_214] : memref<6400x128xi32, #tpu.memory_space<hbm>> -> memref<200x128xi32, #tpu.memory_space<hbm>>
      tpu.wait_dma2 semaphore(%run_scoped3A : memref<!tpu.dma_semaphore, #tpu.memory_space<semaphore_mem>>) src(%dma_wait3A_215 : memref<200x128xi32, #tpu.memory_space<hbm>>) dst(%arg5 : memref<200x128xi32, #tpu.memory_space<vmem>>)
      tpu.yield
    }) : () -> ()
    %dma_start3A = arith.constant 0 : i32
    %dma_start3A_5 = arith.constant 0 : i32
    %dma_start3A_6 = arith.constant 0 : i32
    %dma_start3A_7 = tpu.memref_slice %arg6[%dma_start3A_5, %dma_start3A_6] : memref<256x128xf32, #tpu.memory_space<vmem>> -> memref<128x128xf32, #tpu.memory_space<vmem>>
    %dma_start3A_8 = arith.constant 0 : i32
    %dma_start3A_9 = tpu.memref_slice %arg5[%dma_start3A, %dma_start3A_8] : memref<200x128xi32, #tpu.memory_space<vmem>> -> memref<1x128xi32, #tpu.memory_space<vmem>>
    %dma_start3A_10 = tpu.memref_squeeze %dma_start3A_9 : memref<1x128xi32, #tpu.memory_space<vmem>> -> memref<128xi32, #tpu.memory_space<vmem>>
    %dma_start3A_11 = arith.constant 0 : i32
    %dma_start3A_12 = arith.constant 0 : i32
    %dma_start3A_13 = tpu.memref_slice %arg3[%dma_start3A_11, %dma_start3A_12] : memref<100000x128xf32, #tpu.memory_space<hbm>> -> memref<100000x128xf32, #tpu.memory_space<hbm>>
    tpu.enqueue_indirect_dma source(%dma_start3A_13 : memref<100000x128xf32, #tpu.memory_space<hbm>>) target(%dma_start3A_7 : memref<128x128xf32, #tpu.memory_space<vmem>>) offsets(%dma_start3A_10 : memref<128xi32, #tpu.memory_space<vmem>>) semaphore(%arg9 : memref<!tpu.dma_semaphore, #tpu.memory_space<semaphore_mem>>)
    %dma_start3A_14 = arith.constant 1 : i32
    %dma_start3A_15 = arith.constant 128 : i32
    %dma_start3A_16 = arith.constant 0 : i32
    %dma_start3A_17 = tpu.memref_slice %arg6[%dma_start3A_15, %dma_start3A_16] : memref<256x128xf32, #tpu.memory_space<vmem>> -> memref<128x128xf32, #tpu.memory_space<vmem>>
    %dma_start3A_18 = arith.constant 0 : i32
    %dma_start3A_19 = tpu.memref_slice %arg5[%dma_start3A_14, %dma_start3A_18] : memref<200x128xi32, #tpu.memory_space<vmem>> -> memref<1x128xi32, #tpu.memory_space<vmem>>
    %dma_start3A_20 = tpu.memref_squeeze %dma_start3A_19 : memref<1x128xi32, #tpu.memory_space<vmem>> -> memref<128xi32, #tpu.memory_space<vmem>>
    %dma_start3A_21 = arith.constant 0 : i32
    %dma_start3A_22 = arith.constant 0 : i32
    %dma_start3A_23 = tpu.memref_slice %arg3[%dma_start3A_21, %dma_start3A_22] : memref<100000x128xf32, #tpu.memory_space<hbm>> -> memref<100000x128xf32, #tpu.memory_space<hbm>>
    tpu.enqueue_indirect_dma source(%dma_start3A_23 : memref<100000x128xf32, #tpu.memory_space<hbm>>) target(%dma_start3A_17 : memref<128x128xf32, #tpu.memory_space<vmem>>) offsets(%dma_start3A_20 : memref<128xi32, #tpu.memory_space<vmem>>) semaphore(%arg9 : memref<!tpu.dma_semaphore, #tpu.memory_space<semaphore_mem>>)
    %dma_wait3A = arith.constant 0 : i32
    %dma_wait3A_24 = arith.constant 0 : i32
    %dma_wait3A_25 = arith.constant 0 : i32
    %dma_wait3A_26 = tpu.memref_slice %arg6[%dma_wait3A_24, %dma_wait3A_25] : memref<256x128xf32, #tpu.memory_space<vmem>> -> memref<128x128xf32, #tpu.memory_space<vmem>>
    %dma_wait3A_27 = arith.constant 0 : i32
    %dma_wait3A_28 = tpu.memref_slice %arg5[%dma_wait3A, %dma_wait3A_27] : memref<200x128xi32, #tpu.memory_space<vmem>> -> memref<1x128xi32, #tpu.memory_space<vmem>>
    %dma_wait3A_29 = tpu.memref_squeeze %dma_wait3A_28 : memref<1x128xi32, #tpu.memory_space<vmem>> -> memref<128xi32, #tpu.memory_space<vmem>>
    %dma_wait3A_30 = arith.constant 0 : i32
    %dma_wait3A_31 = arith.constant 0 : i32
    %dma_wait3A_32 = tpu.memref_slice %arg3[%dma_wait3A_30, %dma_wait3A_31] : memref<100000x128xf32, #tpu.memory_space<hbm>> -> memref<100000x128xf32, #tpu.memory_space<hbm>>
    tpu.wait_indirect_dma semaphore(%arg9 : memref<!tpu.dma_semaphore, #tpu.memory_space<semaphore_mem>>) src(%dma_wait3A_32 : memref<100000x128xf32, #tpu.memory_space<hbm>>) dst(%dma_wait3A_26 : memref<128x128xf32, #tpu.memory_space<vmem>>)
    %dma_wait3A_33 = arith.constant 0 : i32
    %dma_wait3A_34 = arith.constant 0 : i32
    %dma_wait3A_35 = arith.constant 0 : i32
    %dma_wait3A_36 = tpu.memref_slice %arg6[%dma_wait3A_34, %dma_wait3A_35] : memref<256x128xf32, #tpu.memory_space<vmem>> -> memref<128x128xf32, #tpu.memory_space<vmem>>
    %dma_wait3A_37 = arith.constant 0 : i32
    %dma_wait3A_38 = tpu.memref_slice %arg5[%dma_wait3A_33, %dma_wait3A_37] : memref<200x128xi32, #tpu.memory_space<vmem>> -> memref<1x128xi32, #tpu.memory_space<vmem>>
    %dma_wait3A_39 = tpu.memref_squeeze %dma_wait3A_38 : memref<1x128xi32, #tpu.memory_space<vmem>> -> memref<128xi32, #tpu.memory_space<vmem>>
    %dma_wait3A_40 = arith.constant 0 : i32
    %dma_wait3A_41 = arith.constant 0 : i32
    %dma_wait3A_42 = tpu.memref_slice %arg3[%dma_wait3A_40, %dma_wait3A_41] : memref<100000x128xf32, #tpu.memory_space<hbm>> -> memref<100000x128xf32, #tpu.memory_space<hbm>>
    tpu.wait_indirect_dma semaphore(%arg9 : memref<!tpu.dma_semaphore, #tpu.memory_space<semaphore_mem>>) src(%dma_wait3A_42 : memref<100000x128xf32, #tpu.memory_space<hbm>>) dst(%dma_wait3A_36 : memref<128x128xf32, #tpu.memory_space<vmem>>)
    %dma_start3A_43 = arith.constant 2 : i32
    %dma_start3A_44 = arith.constant 0 : i32
    %dma_start3A_45 = arith.constant 0 : i32
    %dma_start3A_46 = tpu.memref_slice %arg7[%dma_start3A_44, %dma_start3A_45] : memref<256x128xf32, #tpu.memory_space<vmem>> -> memref<128x128xf32, #tpu.memory_space<vmem>>
    %dma_start3A_47 = arith.constant 0 : i32
    %dma_start3A_48 = tpu.memref_slice %arg5[%dma_start3A_43, %dma_start3A_47] : memref<200x128xi32, #tpu.memory_space<vmem>> -> memref<1x128xi32, #tpu.memory_space<vmem>>
    %dma_start3A_49 = tpu.memref_squeeze %dma_start3A_48 : memref<1x128xi32, #tpu.memory_space<vmem>> -> memref<128xi32, #tpu.memory_space<vmem>>
    %dma_start3A_50 = arith.constant 0 : i32
    %dma_start3A_51 = arith.constant 0 : i32
    %dma_start3A_52 = tpu.memref_slice %arg3[%dma_start3A_50, %dma_start3A_51] : memref<100000x128xf32, #tpu.memory_space<hbm>> -> memref<100000x128xf32, #tpu.memory_space<hbm>>
    tpu.enqueue_indirect_dma source(%dma_start3A_52 : memref<100000x128xf32, #tpu.memory_space<hbm>>) target(%dma_start3A_46 : memref<128x128xf32, #tpu.memory_space<vmem>>) offsets(%dma_start3A_49 : memref<128xi32, #tpu.memory_space<vmem>>) semaphore(%arg10 : memref<!tpu.dma_semaphore, #tpu.memory_space<semaphore_mem>>)
    %dma_start3A_53 = arith.constant 3 : i32
    %dma_start3A_54 = arith.constant 128 : i32
    %dma_start3A_55 = arith.constant 0 : i32
    %dma_start3A_56 = tpu.memref_slice %arg7[%dma_start3A_54, %dma_start3A_55] : memref<256x128xf32, #tpu.memory_space<vmem>> -> memref<128x128xf32, #tpu.memory_space<vmem>>
    %dma_start3A_57 = arith.constant 0 : i32
    %dma_start3A_58 = tpu.memref_slice %arg5[%dma_start3A_53, %dma_start3A_57] : memref<200x128xi32, #tpu.memory_space<vmem>> -> memref<1x128xi32, #tpu.memory_space<vmem>>
    %dma_start3A_59 = tpu.memref_squeeze %dma_start3A_58 : memref<1x128xi32, #tpu.memory_space<vmem>> -> memref<128xi32, #tpu.memory_space<vmem>>
    %dma_start3A_60 = arith.constant 0 : i32
    %dma_start3A_61 = arith.constant 0 : i32
    %dma_start3A_62 = tpu.memref_slice %arg3[%dma_start3A_60, %dma_start3A_61] : memref<100000x128xf32, #tpu.memory_space<hbm>> -> memref<100000x128xf32, #tpu.memory_space<hbm>>
    tpu.enqueue_indirect_dma source(%dma_start3A_62 : memref<100000x128xf32, #tpu.memory_space<hbm>>) target(%dma_start3A_56 : memref<128x128xf32, #tpu.memory_space<vmem>>) offsets(%dma_start3A_59 : memref<128xi32, #tpu.memory_space<vmem>>) semaphore(%arg10 : memref<!tpu.dma_semaphore, #tpu.memory_space<semaphore_mem>>)
    %add3A_63 = arith.constant 0 : i32
    %add3A_64 = arith.addi %mul3A_2, %add3A_63 : i32
    %dma_start3A_65 = arith.constant 0 : i32
    %dma_start3A_66 = tpu.memref_slice %arg4[%add3A_64, %dma_start3A_65] : memref<819200x128xf32, #tpu.memory_space<hbm>> -> memref<256x128xf32, #tpu.memory_space<hbm>>
    %dma_start3A_67 = arith.constant 0 : i32
    %dma_start3A_68 = tpu.memref_slice %arg4[%add3A_64, %dma_start3A_67] : memref<819200x128xf32, #tpu.memory_space<hbm>> -> memref<256x128xf32, #tpu.memory_space<hbm>>
    tpu.enqueue_dma source(%arg6 : memref<256x128xf32, #tpu.memory_space<vmem>>) target(%dma_start3A_68 : memref<256x128xf32, #tpu.memory_space<hbm>>) target_semaphore(%arg12 : memref<!tpu.dma_semaphore, #tpu.memory_space<semaphore_mem>>)
    %dma_wait3A_69 = arith.constant 0 : i32
    %dma_wait3A_70 = arith.constant 0 : i32
    %dma_wait3A_71 = arith.constant 0 : i32
    %dma_wait3A_72 = tpu.memref_slice %arg7[%dma_wait3A_70, %dma_wait3A_71] : memref<256x128xf32, #tpu.memory_space<vmem>> -> memref<128x128xf32, #tpu.memory_space<vmem>>
    %dma_wait3A_73 = arith.constant 0 : i32
    %dma_wait3A_74 = tpu.memref_slice %arg5[%dma_wait3A_69, %dma_wait3A_73] : memref<200x128xi32, #tpu.memory_space<vmem>> -> memref<1x128xi32, #tpu.memory_space<vmem>>
    %dma_wait3A_75 = tpu.memref_squeeze %dma_wait3A_74 : memref<1x128xi32, #tpu.memory_space<vmem>> -> memref<128xi32, #tpu.memory_space<vmem>>
    %dma_wait3A_76 = arith.constant 0 : i32
    %dma_wait3A_77 = arith.constant 0 : i32
    %dma_wait3A_78 = tpu.memref_slice %arg3[%dma_wait3A_76, %dma_wait3A_77] : memref<100000x128xf32, #tpu.memory_space<hbm>> -> memref<100000x128xf32, #tpu.memory_space<hbm>>
    tpu.wait_indirect_dma semaphore(%arg10 : memref<!tpu.dma_semaphore, #tpu.memory_space<semaphore_mem>>) src(%dma_wait3A_78 : memref<100000x128xf32, #tpu.memory_space<hbm>>) dst(%dma_wait3A_72 : memref<128x128xf32, #tpu.memory_space<vmem>>)
    %dma_wait3A_79 = arith.constant 0 : i32
    %dma_wait3A_80 = arith.constant 0 : i32
    %dma_wait3A_81 = arith.constant 0 : i32
    %dma_wait3A_82 = tpu.memref_slice %arg7[%dma_wait3A_80, %dma_wait3A_81] : memref<256x128xf32, #tpu.memory_space<vmem>> -> memref<128x128xf32, #tpu.memory_space<vmem>>
    %dma_wait3A_83 = arith.constant 0 : i32
    %dma_wait3A_84 = tpu.memref_slice %arg5[%dma_wait3A_79, %dma_wait3A_83] : memref<200x128xi32, #tpu.memory_space<vmem>> -> memref<1x128xi32, #tpu.memory_space<vmem>>
    %dma_wait3A_85 = tpu.memref_squeeze %dma_wait3A_84 : memref<1x128xi32, #tpu.memory_space<vmem>> -> memref<128xi32, #tpu.memory_space<vmem>>
    %dma_wait3A_86 = arith.constant 0 : i32
    %dma_wait3A_87 = arith.constant 0 : i32
    %dma_wait3A_88 = tpu.memref_slice %arg3[%dma_wait3A_86, %dma_wait3A_87] : memref<100000x128xf32, #tpu.memory_space<hbm>> -> memref<100000x128xf32, #tpu.memory_space<hbm>>
    tpu.wait_indirect_dma semaphore(%arg10 : memref<!tpu.dma_semaphore, #tpu.memory_space<semaphore_mem>>) src(%dma_wait3A_88 : memref<100000x128xf32, #tpu.memory_space<hbm>>) dst(%dma_wait3A_82 : memref<128x128xf32, #tpu.memory_space<vmem>>)
    %dma_start3A_89 = arith.constant 4 : i32
    %dma_start3A_90 = arith.constant 0 : i32
    %dma_start3A_91 = arith.constant 0 : i32
    %dma_start3A_92 = tpu.memref_slice %arg8[%dma_start3A_90, %dma_start3A_91] : memref<256x128xf32, #tpu.memory_space<vmem>> -> memref<128x128xf32, #tpu.memory_space<vmem>>
    %dma_start3A_93 = arith.constant 0 : i32
    %dma_start3A_94 = tpu.memref_slice %arg5[%dma_start3A_89, %dma_start3A_93] : memref<200x128xi32, #tpu.memory_space<vmem>> -> memref<1x128xi32, #tpu.memory_space<vmem>>
    %dma_start3A_95 = tpu.memref_squeeze %dma_start3A_94 : memref<1x128xi32, #tpu.memory_space<vmem>> -> memref<128xi32, #tpu.memory_space<vmem>>
    %dma_start3A_96 = arith.constant 0 : i32
    %dma_start3A_97 = arith.constant 0 : i32
    %dma_start3A_98 = tpu.memref_slice %arg3[%dma_start3A_96, %dma_start3A_97] : memref<100000x128xf32, #tpu.memory_space<hbm>> -> memref<100000x128xf32, #tpu.memory_space<hbm>>
    tpu.enqueue_indirect_dma source(%dma_start3A_98 : memref<100000x128xf32, #tpu.memory_space<hbm>>) target(%dma_start3A_92 : memref<128x128xf32, #tpu.memory_space<vmem>>) offsets(%dma_start3A_95 : memref<128xi32, #tpu.memory_space<vmem>>) semaphore(%arg11 : memref<!tpu.dma_semaphore, #tpu.memory_space<semaphore_mem>>)
    %dma_start3A_99 = arith.constant 5 : i32
    %dma_start3A_100 = arith.constant 128 : i32
    %dma_start3A_101 = arith.constant 0 : i32
    %dma_start3A_102 = tpu.memref_slice %arg8[%dma_start3A_100, %dma_start3A_101] : memref<256x128xf32, #tpu.memory_space<vmem>> -> memref<128x128xf32, #tpu.memory_space<vmem>>
    %dma_start3A_103 = arith.constant 0 : i32
    %dma_start3A_104 = tpu.memref_slice %arg5[%dma_start3A_99, %dma_start3A_103] : memref<200x128xi32, #tpu.memory_space<vmem>> -> memref<1x128xi32, #tpu.memory_space<vmem>>
    %dma_start3A_105 = tpu.memref_squeeze %dma_start3A_104 : memref<1x128xi32, #tpu.memory_space<vmem>> -> memref<128xi32, #tpu.memory_space<vmem>>
    %dma_start3A_106 = arith.constant 0 : i32
    %dma_start3A_107 = arith.constant 0 : i32
    %dma_start3A_108 = tpu.memref_slice %arg3[%dma_start3A_106, %dma_start3A_107] : memref<100000x128xf32, #tpu.memory_space<hbm>> -> memref<100000x128xf32, #tpu.memory_space<hbm>>
    tpu.enqueue_indirect_dma source(%dma_start3A_108 : memref<100000x128xf32, #tpu.memory_space<hbm>>) target(%dma_start3A_102 : memref<128x128xf32, #tpu.memory_space<vmem>>) offsets(%dma_start3A_105 : memref<128xi32, #tpu.memory_space<vmem>>) semaphore(%arg11 : memref<!tpu.dma_semaphore, #tpu.memory_space<semaphore_mem>>)
    %add3A_109 = arith.constant 256 : i32
    %add3A_110 = arith.addi %mul3A_2, %add3A_109 : i32
    %dma_start3A_111 = arith.constant 0 : i32
    %dma_start3A_112 = tpu.memref_slice %arg4[%add3A_110, %dma_start3A_111] : memref<819200x128xf32, #tpu.memory_space<hbm>> -> memref<256x128xf32, #tpu.memory_space<hbm>>
    %dma_start3A_113 = arith.constant 0 : i32
    %dma_start3A_114 = tpu.memref_slice %arg4[%add3A_110, %dma_start3A_113] : memref<819200x128xf32, #tpu.memory_space<hbm>> -> memref<256x128xf32, #tpu.memory_space<hbm>>
    tpu.enqueue_dma source(%arg7 : memref<256x128xf32, #tpu.memory_space<vmem>>) target(%dma_start3A_114 : memref<256x128xf32, #tpu.memory_space<hbm>>) target_semaphore(%arg13 : memref<!tpu.dma_semaphore, #tpu.memory_space<semaphore_mem>>)
    %scan3A = arith.constant 0 : i32
    %scan3A_115 = arith.constant 0 : i32
    %scan3A_116 = arith.constant 32 : i32
    %scan3A_117 = arith.addi %scan3A_115, %scan3A_116 : i32
    %scan3A_118 = arith.constant 1 : i32
    scf.for %scan3A_208 = %scan3A_115 to %scan3A_117 step %scan3A_118  : i32 {
      %mul3A_209 = arith.constant 3 : i32
      %mul3A_210 = arith.muli %mul3A_209, %scan3A_208 : i32
      %add3A_211 = arith.constant 2 : i32
      %add3A_212 = arith.addi %add3A_211, %mul3A_210 : i32
      %add3A_213 = arith.constant 0 : i32
      %add3A_214 = arith.addi %add3A_212, %add3A_213 : i32
      %dma_wait3A_215 = arith.constant 0 : i32
      %dma_wait3A_216 = arith.constant 0 : i32
      %dma_wait3A_217 = arith.constant 0 : i32
      %dma_wait3A_218 = tpu.memref_slice %arg8[%dma_wait3A_216, %dma_wait3A_217] : memref<256x128xf32, #tpu.memory_space<vmem>> -> memref<128x128xf32, #tpu.memory_space<vmem>>
      %dma_wait3A_219 = arith.constant 0 : i32
      %dma_wait3A_220 = tpu.memref_slice %arg5[%dma_wait3A_215, %dma_wait3A_219] : memref<200x128xi32, #tpu.memory_space<vmem>> -> memref<1x128xi32, #tpu.memory_space<vmem>>
      %dma_wait3A_221 = tpu.memref_squeeze %dma_wait3A_220 : memref<1x128xi32, #tpu.memory_space<vmem>> -> memref<128xi32, #tpu.memory_space<vmem>>
      %dma_wait3A_222 = arith.constant 0 : i32
      %dma_wait3A_223 = arith.constant 0 : i32
      %dma_wait3A_224 = tpu.memref_slice %arg3[%dma_wait3A_222, %dma_wait3A_223] : memref<100000x128xf32, #tpu.memory_space<hbm>> -> memref<100000x128xf32, #tpu.memory_space<hbm>>
      tpu.wait_indirect_dma semaphore(%arg11 : memref<!tpu.dma_semaphore, #tpu.memory_space<semaphore_mem>>) src(%dma_wait3A_224 : memref<100000x128xf32, #tpu.memory_space<hbm>>) dst(%dma_wait3A_218 : memref<128x128xf32, #tpu.memory_space<vmem>>)
      %dma_wait3A_225 = arith.constant 0 : i32
      %dma_wait3A_226 = arith.constant 0 : i32
      %dma_wait3A_227 = arith.constant 0 : i32
      %dma_wait3A_228 = tpu.memref_slice %arg8[%dma_wait3A_226, %dma_wait3A_227] : memref<256x128xf32, #tpu.memory_space<vmem>> -> memref<128x128xf32, #tpu.memory_space<vmem>>
      %dma_wait3A_229 = arith.constant 0 : i32
      %dma_wait3A_230 = tpu.memref_slice %arg5[%dma_wait3A_225, %dma_wait3A_229] : memref<200x128xi32, #tpu.memory_space<vmem>> -> memref<1x128xi32, #tpu.memory_space<vmem>>
      %dma_wait3A_231 = tpu.memref_squeeze %dma_wait3A_230 : memref<1x128xi32, #tpu.memory_space<vmem>> -> memref<128xi32, #tpu.memory_space<vmem>>
      %dma_wait3A_232 = arith.constant 0 : i32
      %dma_wait3A_233 = arith.constant 0 : i32
      %dma_wait3A_234 = tpu.memref_slice %arg3[%dma_wait3A_232, %dma_wait3A_233] : memref<100000x128xf32, #tpu.memory_space<hbm>> -> memref<100000x128xf32, #tpu.memory_space<hbm>>
      tpu.wait_indirect_dma semaphore(%arg11 : memref<!tpu.dma_semaphore, #tpu.memory_space<semaphore_mem>>) src(%dma_wait3A_234 : memref<100000x128xf32, #tpu.memory_space<hbm>>) dst(%dma_wait3A_228 : memref<128x128xf32, #tpu.memory_space<vmem>>)
      %dma_wait3A_235 = arith.constant 0 : i32
      %dma_wait3A_236 = tpu.memref_slice %arg4[%mul3A_2, %dma_wait3A_235] : memref<819200x128xf32, #tpu.memory_space<hbm>> -> memref<256x128xf32, #tpu.memory_space<hbm>>
      %dma_wait3A_237 = arith.constant 0 : i32
      %dma_wait3A_238 = tpu.memref_slice %arg4[%mul3A_2, %dma_wait3A_237] : memref<819200x128xf32, #tpu.memory_space<hbm>> -> memref<256x128xf32, #tpu.memory_space<hbm>>
      tpu.wait_dma2 semaphore(%arg12 : memref<!tpu.dma_semaphore, #tpu.memory_space<semaphore_mem>>) src(%arg6 : memref<256x128xf32, #tpu.memory_space<vmem>>) dst(%dma_wait3A_238 : memref<256x128xf32, #tpu.memory_space<hbm>>)
      %add3A_239 = arith.constant 1 : i32
      %add3A_240 = arith.addi %add3A_214, %add3A_239 : i32
      %mul3A_241 = arith.constant 2 : i32
      %mul3A_242 = arith.muli %mul3A_241, %add3A_240 : i32
      %add3A_243 = arith.constant 0 : i32
      %add3A_244 = arith.addi %mul3A_242, %add3A_243 : i32
      %dma_start3A_245 = arith.constant 0 : i32
      %dma_start3A_246 = arith.constant 0 : i32
      %dma_start3A_247 = tpu.memref_slice %arg6[%dma_start3A_245, %dma_start3A_246] : memref<256x128xf32, #tpu.memory_space<vmem>> -> memref<128x128xf32, #tpu.memory_space<vmem>>
      %dma_start3A_248 = arith.constant 0 : i32
      %dma_start3A_249 = tpu.memref_slice %arg5[%add3A_244, %dma_start3A_248] : memref<200x128xi32, #tpu.memory_space<vmem>> -> memref<1x128xi32, #tpu.memory_space<vmem>>
      %dma_start3A_250 = tpu.memref_squeeze %dma_start3A_249 : memref<1x128xi32, #tpu.memory_space<vmem>> -> memref<128xi32, #tpu.memory_space<vmem>>
      %dma_start3A_251 = arith.constant 0 : i32
      %dma_start3A_252 = arith.constant 0 : i32
      %dma_start3A_253 = tpu.memref_slice %arg3[%dma_start3A_251, %dma_start3A_252] : memref<100000x128xf32, #tpu.memory_space<hbm>> -> memref<100000x128xf32, #tpu.memory_space<hbm>>
      tpu.enqueue_indirect_dma source(%dma_start3A_253 : memref<100000x128xf32, #tpu.memory_space<hbm>>) target(%dma_start3A_247 : memref<128x128xf32, #tpu.memory_space<vmem>>) offsets(%dma_start3A_250 : memref<128xi32, #tpu.memory_space<vmem>>) semaphore(%arg9 : memref<!tpu.dma_semaphore, #tpu.memory_space<semaphore_mem>>)
      %mul3A_254 = arith.constant 2 : i32
      %mul3A_255 = arith.muli %mul3A_254, %add3A_240 : i32
      %add3A_256 = arith.constant 1 : i32
      %add3A_257 = arith.addi %mul3A_255, %add3A_256 : i32
      %dma_start3A_258 = arith.constant 128 : i32
      %dma_start3A_259 = arith.constant 0 : i32
      %dma_start3A_260 = tpu.memref_slice %arg6[%dma_start3A_258, %dma_start3A_259] : memref<256x128xf32, #tpu.memory_space<vmem>> -> memref<128x128xf32, #tpu.memory_space<vmem>>
      %dma_start3A_261 = arith.constant 0 : i32
      %dma_start3A_262 = tpu.memref_slice %arg5[%add3A_257, %dma_start3A_261] : memref<200x128xi32, #tpu.memory_space<vmem>> -> memref<1x128xi32, #tpu.memory_space<vmem>>
      %dma_start3A_263 = tpu.memref_squeeze %dma_start3A_262 : memref<1x128xi32, #tpu.memory_space<vmem>> -> memref<128xi32, #tpu.memory_space<vmem>>
      %dma_start3A_264 = arith.constant 0 : i32
      %dma_start3A_265 = arith.constant 0 : i32
      %dma_start3A_266 = tpu.memref_slice %arg3[%dma_start3A_264, %dma_start3A_265] : memref<100000x128xf32, #tpu.memory_space<hbm>> -> memref<100000x128xf32, #tpu.memory_space<hbm>>
      tpu.enqueue_indirect_dma source(%dma_start3A_266 : memref<100000x128xf32, #tpu.memory_space<hbm>>) target(%dma_start3A_260 : memref<128x128xf32, #tpu.memory_space<vmem>>) offsets(%dma_start3A_263 : memref<128xi32, #tpu.memory_space<vmem>>) semaphore(%arg9 : memref<!tpu.dma_semaphore, #tpu.memory_space<semaphore_mem>>)
      %mul3A_267 = arith.constant 256 : i32
      %mul3A_268 = arith.muli %add3A_214, %mul3A_267 : i32
      %add3A_269 = arith.addi %mul3A_2, %mul3A_268 : i32
      %dma_start3A_270 = arith.constant 0 : i32
      %dma_start3A_271 = tpu.memref_slice %arg4[%add3A_269, %dma_start3A_270] : memref<819200x128xf32, #tpu.memory_space<hbm>> -> memref<256x128xf32, #tpu.memory_space<hbm>>
      %dma_start3A_272 = arith.constant 0 : i32
      %dma_start3A_273 = tpu.memref_slice %arg4[%add3A_269, %dma_start3A_272] : memref<819200x128xf32, #tpu.memory_space<hbm>> -> memref<256x128xf32, #tpu.memory_space<hbm>>
      tpu.enqueue_dma source(%arg8 : memref<256x128xf32, #tpu.memory_space<vmem>>) target(%dma_start3A_273 : memref<256x128xf32, #tpu.memory_space<hbm>>) target_semaphore(%arg14 : memref<!tpu.dma_semaphore, #tpu.memory_space<semaphore_mem>>)
      %mul3A_274 = arith.constant 3 : i32
      %mul3A_275 = arith.muli %mul3A_274, %scan3A_208 : i32
      %add3A_276 = arith.constant 2 : i32
      %add3A_277 = arith.addi %add3A_276, %mul3A_275 : i32
      %add3A_278 = arith.constant 1 : i32
      %add3A_279 = arith.addi %add3A_277, %add3A_278 : i32
      %dma_wait3A_280 = arith.constant 0 : i32
      %dma_wait3A_281 = arith.constant 0 : i32
      %dma_wait3A_282 = arith.constant 0 : i32
      %dma_wait3A_283 = tpu.memref_slice %arg6[%dma_wait3A_281, %dma_wait3A_282] : memref<256x128xf32, #tpu.memory_space<vmem>> -> memref<128x128xf32, #tpu.memory_space<vmem>>
      %dma_wait3A_284 = arith.constant 0 : i32
      %dma_wait3A_285 = tpu.memref_slice %arg5[%dma_wait3A_280, %dma_wait3A_284] : memref<200x128xi32, #tpu.memory_space<vmem>> -> memref<1x128xi32, #tpu.memory_space<vmem>>
      %dma_wait3A_286 = tpu.memref_squeeze %dma_wait3A_285 : memref<1x128xi32, #tpu.memory_space<vmem>> -> memref<128xi32, #tpu.memory_space<vmem>>
      %dma_wait3A_287 = arith.constant 0 : i32
      %dma_wait3A_288 = arith.constant 0 : i32
      %dma_wait3A_289 = tpu.memref_slice %arg3[%dma_wait3A_287, %dma_wait3A_288] : memref<100000x128xf32, #tpu.memory_space<hbm>> -> memref<100000x128xf32, #tpu.memory_space<hbm>>
      tpu.wait_indirect_dma semaphore(%arg9 : memref<!tpu.dma_semaphore, #tpu.memory_space<semaphore_mem>>) src(%dma_wait3A_289 : memref<100000x128xf32, #tpu.memory_space<hbm>>) dst(%dma_wait3A_283 : memref<128x128xf32, #tpu.memory_space<vmem>>)
      %dma_wait3A_290 = arith.constant 0 : i32
      %dma_wait3A_291 = arith.constant 0 : i32
      %dma_wait3A_292 = arith.constant 0 : i32
      %dma_wait3A_293 = tpu.memref_slice %arg6[%dma_wait3A_291, %dma_wait3A_292] : memref<256x128xf32, #tpu.memory_space<vmem>> -> memref<128x128xf32, #tpu.memory_space<vmem>>
      %dma_wait3A_294 = arith.constant 0 : i32
      %dma_wait3A_295 = tpu.memref_slice %arg5[%dma_wait3A_290, %dma_wait3A_294] : memref<200x128xi32, #tpu.memory_space<vmem>> -> memref<1x128xi32, #tpu.memory_space<vmem>>
      %dma_wait3A_296 = tpu.memref_squeeze %dma_wait3A_295 : memref<1x128xi32, #tpu.memory_space<vmem>> -> memref<128xi32, #tpu.memory_space<vmem>>
      %dma_wait3A_297 = arith.constant 0 : i32
      %dma_wait3A_298 = arith.constant 0 : i32
      %dma_wait3A_299 = tpu.memref_slice %arg3[%dma_wait3A_297, %dma_wait3A_298] : memref<100000x128xf32, #tpu.memory_space<hbm>> -> memref<100000x128xf32, #tpu.memory_space<hbm>>
      tpu.wait_indirect_dma semaphore(%arg9 : memref<!tpu.dma_semaphore, #tpu.memory_space<semaphore_mem>>) src(%dma_wait3A_299 : memref<100000x128xf32, #tpu.memory_space<hbm>>) dst(%dma_wait3A_293 : memref<128x128xf32, #tpu.memory_space<vmem>>)
      %dma_wait3A_300 = arith.constant 0 : i32
      %dma_wait3A_301 = tpu.memref_slice %arg4[%mul3A_2, %dma_wait3A_300] : memref<819200x128xf32, #tpu.memory_space<hbm>> -> memref<256x128xf32, #tpu.memory_space<hbm>>
      %dma_wait3A_302 = arith.constant 0 : i32
      %dma_wait3A_303 = tpu.memref_slice %arg4[%mul3A_2, %dma_wait3A_302] : memref<819200x128xf32, #tpu.memory_space<hbm>> -> memref<256x128xf32, #tpu.memory_space<hbm>>
      tpu.wait_dma2 semaphore(%arg13 : memref<!tpu.dma_semaphore, #tpu.memory_space<semaphore_mem>>) src(%arg7 : memref<256x128xf32, #tpu.memory_space<vmem>>) dst(%dma_wait3A_303 : memref<256x128xf32, #tpu.memory_space<hbm>>)
      %add3A_304 = arith.constant 1 : i32
      %add3A_305 = arith.addi %add3A_279, %add3A_304 : i32
      %mul3A_306 = arith.constant 2 : i32
      %mul3A_307 = arith.muli %mul3A_306, %add3A_305 : i32
      %add3A_308 = arith.constant 0 : i32
      %add3A_309 = arith.addi %mul3A_307, %add3A_308 : i32
      %dma_start3A_310 = arith.constant 0 : i32
      %dma_start3A_311 = arith.constant 0 : i32
      %dma_start3A_312 = tpu.memref_slice %arg7[%dma_start3A_310, %dma_start3A_311] : memref<256x128xf32, #tpu.memory_space<vmem>> -> memref<128x128xf32, #tpu.memory_space<vmem>>
      %dma_start3A_313 = arith.constant 0 : i32
      %dma_start3A_314 = tpu.memref_slice %arg5[%add3A_309, %dma_start3A_313] : memref<200x128xi32, #tpu.memory_space<vmem>> -> memref<1x128xi32, #tpu.memory_space<vmem>>
      %dma_start3A_315 = tpu.memref_squeeze %dma_start3A_314 : memref<1x128xi32, #tpu.memory_space<vmem>> -> memref<128xi32, #tpu.memory_space<vmem>>
      %dma_start3A_316 = arith.constant 0 : i32
      %dma_start3A_317 = arith.constant 0 : i32
      %dma_start3A_318 = tpu.memref_slice %arg3[%dma_start3A_316, %dma_start3A_317] : memref<100000x128xf32, #tpu.memory_space<hbm>> -> memref<100000x128xf32, #tpu.memory_space<hbm>>
      tpu.enqueue_indirect_dma source(%dma_start3A_318 : memref<100000x128xf32, #tpu.memory_space<hbm>>) target(%dma_start3A_312 : memref<128x128xf32, #tpu.memory_space<vmem>>) offsets(%dma_start3A_315 : memref<128xi32, #tpu.memory_space<vmem>>) semaphore(%arg10 : memref<!tpu.dma_semaphore, #tpu.memory_space<semaphore_mem>>)
      %mul3A_319 = arith.constant 2 : i32
      %mul3A_320 = arith.muli %mul3A_319, %add3A_305 : i32
      %add3A_321 = arith.constant 1 : i32
      %add3A_322 = arith.addi %mul3A_320, %add3A_321 : i32
      %dma_start3A_323 = arith.constant 128 : i32
      %dma_start3A_324 = arith.constant 0 : i32
      %dma_start3A_325 = tpu.memref_slice %arg7[%dma_start3A_323, %dma_start3A_324] : memref<256x128xf32, #tpu.memory_space<vmem>> -> memref<128x128xf32, #tpu.memory_space<vmem>>
      %dma_start3A_326 = arith.constant 0 : i32
      %dma_start3A_327 = tpu.memref_slice %arg5[%add3A_322, %dma_start3A_326] : memref<200x128xi32, #tpu.memory_space<vmem>> -> memref<1x128xi32, #tpu.memory_space<vmem>>
      %dma_start3A_328 = tpu.memref_squeeze %dma_start3A_327 : memref<1x128xi32, #tpu.memory_space<vmem>> -> memref<128xi32, #tpu.memory_space<vmem>>
      %dma_start3A_329 = arith.constant 0 : i32
      %dma_start3A_330 = arith.constant 0 : i32
      %dma_start3A_331 = tpu.memref_slice %arg3[%dma_start3A_329, %dma_start3A_330] : memref<100000x128xf32, #tpu.memory_space<hbm>> -> memref<100000x128xf32, #tpu.memory_space<hbm>>
      tpu.enqueue_indirect_dma source(%dma_start3A_331 : memref<100000x128xf32, #tpu.memory_space<hbm>>) target(%dma_start3A_325 : memref<128x128xf32, #tpu.memory_space<vmem>>) offsets(%dma_start3A_328 : memref<128xi32, #tpu.memory_space<vmem>>) semaphore(%arg10 : memref<!tpu.dma_semaphore, #tpu.memory_space<semaphore_mem>>)
      %mul3A_332 = arith.constant 256 : i32
      %mul3A_333 = arith.muli %add3A_279, %mul3A_332 : i32
      %add3A_334 = arith.addi %mul3A_2, %mul3A_333 : i32
      %dma_start3A_335 = arith.constant 0 : i32
      %dma_start3A_336 = tpu.memref_slice %arg4[%add3A_334, %dma_start3A_335] : memref<819200x128xf32, #tpu.memory_space<hbm>> -> memref<256x128xf32, #tpu.memory_space<hbm>>
      %dma_start3A_337 = arith.constant 0 : i32
      %dma_start3A_338 = tpu.memref_slice %arg4[%add3A_334, %dma_start3A_337] : memref<819200x128xf32, #tpu.memory_space<hbm>> -> memref<256x128xf32, #tpu.memory_space<hbm>>
      tpu.enqueue_dma source(%arg6 : memref<256x128xf32, #tpu.memory_space<vmem>>) target(%dma_start3A_338 : memref<256x128xf32, #tpu.memory_space<hbm>>) target_semaphore(%arg12 : memref<!tpu.dma_semaphore, #tpu.memory_space<semaphore_mem>>)
      %mul3A_339 = arith.constant 3 : i32
      %mul3A_340 = arith.muli %mul3A_339, %scan3A_208 : i32
      %add3A_341 = arith.constant 2 : i32
      %add3A_342 = arith.addi %add3A_341, %mul3A_340 : i32
      %add3A_343 = arith.constant 2 : i32
      %add3A_344 = arith.addi %add3A_342, %add3A_343 : i32
      %dma_wait3A_345 = arith.constant 0 : i32
      %dma_wait3A_346 = arith.constant 0 : i32
      %dma_wait3A_347 = arith.constant 0 : i32
      %dma_wait3A_348 = tpu.memref_slice %arg7[%dma_wait3A_346, %dma_wait3A_347] : memref<256x128xf32, #tpu.memory_space<vmem>> -> memref<128x128xf32, #tpu.memory_space<vmem>>
      %dma_wait3A_349 = arith.constant 0 : i32
      %dma_wait3A_350 = tpu.memref_slice %arg5[%dma_wait3A_345, %dma_wait3A_349] : memref<200x128xi32, #tpu.memory_space<vmem>> -> memref<1x128xi32, #tpu.memory_space<vmem>>
      %dma_wait3A_351 = tpu.memref_squeeze %dma_wait3A_350 : memref<1x128xi32, #tpu.memory_space<vmem>> -> memref<128xi32, #tpu.memory_space<vmem>>
      %dma_wait3A_352 = arith.constant 0 : i32
      %dma_wait3A_353 = arith.constant 0 : i32
      %dma_wait3A_354 = tpu.memref_slice %arg3[%dma_wait3A_352, %dma_wait3A_353] : memref<100000x128xf32, #tpu.memory_space<hbm>> -> memref<100000x128xf32, #tpu.memory_space<hbm>>
      tpu.wait_indirect_dma semaphore(%arg10 : memref<!tpu.dma_semaphore, #tpu.memory_space<semaphore_mem>>) src(%dma_wait3A_354 : memref<100000x128xf32, #tpu.memory_space<hbm>>) dst(%dma_wait3A_348 : memref<128x128xf32, #tpu.memory_space<vmem>>)
      %dma_wait3A_355 = arith.constant 0 : i32
      %dma_wait3A_356 = arith.constant 0 : i32
      %dma_wait3A_357 = arith.constant 0 : i32
      %dma_wait3A_358 = tpu.memref_slice %arg7[%dma_wait3A_356, %dma_wait3A_357] : memref<256x128xf32, #tpu.memory_space<vmem>> -> memref<128x128xf32, #tpu.memory_space<vmem>>
      %dma_wait3A_359 = arith.constant 0 : i32
      %dma_wait3A_360 = tpu.memref_slice %arg5[%dma_wait3A_355, %dma_wait3A_359] : memref<200x128xi32, #tpu.memory_space<vmem>> -> memref<1x128xi32, #tpu.memory_space<vmem>>
      %dma_wait3A_361 = tpu.memref_squeeze %dma_wait3A_360 : memref<1x128xi32, #tpu.memory_space<vmem>> -> memref<128xi32, #tpu.memory_space<vmem>>
      %dma_wait3A_362 = arith.constant 0 : i32
      %dma_wait3A_363 = arith.constant 0 : i32
      %dma_wait3A_364 = tpu.memref_slice %arg3[%dma_wait3A_362, %dma_wait3A_363] : memref<100000x128xf32, #tpu.memory_space<hbm>> -> memref<100000x128xf32, #tpu.memory_space<hbm>>
      tpu.wait_indirect_dma semaphore(%arg10 : memref<!tpu.dma_semaphore, #tpu.memory_space<semaphore_mem>>) src(%dma_wait3A_364 : memref<100000x128xf32, #tpu.memory_space<hbm>>) dst(%dma_wait3A_358 : memref<128x128xf32, #tpu.memory_space<vmem>>)
      %dma_wait3A_365 = arith.constant 0 : i32
      %dma_wait3A_366 = tpu.memref_slice %arg4[%mul3A_2, %dma_wait3A_365] : memref<819200x128xf32, #tpu.memory_space<hbm>> -> memref<256x128xf32, #tpu.memory_space<hbm>>
      %dma_wait3A_367 = arith.constant 0 : i32
      %dma_wait3A_368 = tpu.memref_slice %arg4[%mul3A_2, %dma_wait3A_367] : memref<819200x128xf32, #tpu.memory_space<hbm>> -> memref<256x128xf32, #tpu.memory_space<hbm>>
      tpu.wait_dma2 semaphore(%arg14 : memref<!tpu.dma_semaphore, #tpu.memory_space<semaphore_mem>>) src(%arg8 : memref<256x128xf32, #tpu.memory_space<vmem>>) dst(%dma_wait3A_368 : memref<256x128xf32, #tpu.memory_space<hbm>>)
      %add3A_369 = arith.constant 1 : i32
      %add3A_370 = arith.addi %add3A_344, %add3A_369 : i32
      %mul3A_371 = arith.constant 2 : i32
      %mul3A_372 = arith.muli %mul3A_371, %add3A_370 : i32
      %add3A_373 = arith.constant 0 : i32
      %add3A_374 = arith.addi %mul3A_372, %add3A_373 : i32
      %dma_start3A_375 = arith.constant 0 : i32
      %dma_start3A_376 = arith.constant 0 : i32
      %dma_start3A_377 = tpu.memref_slice %arg8[%dma_start3A_375, %dma_start3A_376] : memref<256x128xf32, #tpu.memory_space<vmem>> -> memref<128x128xf32, #tpu.memory_space<vmem>>
      %dma_start3A_378 = arith.constant 0 : i32
      %dma_start3A_379 = tpu.memref_slice %arg5[%add3A_374, %dma_start3A_378] : memref<200x128xi32, #tpu.memory_space<vmem>> -> memref<1x128xi32, #tpu.memory_space<vmem>>
      %dma_start3A_380 = tpu.memref_squeeze %dma_start3A_379 : memref<1x128xi32, #tpu.memory_space<vmem>> -> memref<128xi32, #tpu.memory_space<vmem>>
      %dma_start3A_381 = arith.constant 0 : i32
      %dma_start3A_382 = arith.constant 0 : i32
      %dma_start3A_383 = tpu.memref_slice %arg3[%dma_start3A_381, %dma_start3A_382] : memref<100000x128xf32, #tpu.memory_space<hbm>> -> memref<100000x128xf32, #tpu.memory_space<hbm>>
      tpu.enqueue_indirect_dma source(%dma_start3A_383 : memref<100000x128xf32, #tpu.memory_space<hbm>>) target(%dma_start3A_377 : memref<128x128xf32, #tpu.memory_space<vmem>>) offsets(%dma_start3A_380 : memref<128xi32, #tpu.memory_space<vmem>>) semaphore(%arg11 : memref<!tpu.dma_semaphore, #tpu.memory_space<semaphore_mem>>)
      %mul3A_384 = arith.constant 2 : i32
      %mul3A_385 = arith.muli %mul3A_384, %add3A_370 : i32
      %add3A_386 = arith.constant 1 : i32
      %add3A_387 = arith.addi %mul3A_385, %add3A_386 : i32
      %dma_start3A_388 = arith.constant 128 : i32
      %dma_start3A_389 = arith.constant 0 : i32
      %dma_start3A_390 = tpu.memref_slice %arg8[%dma_start3A_388, %dma_start3A_389] : memref<256x128xf32, #tpu.memory_space<vmem>> -> memref<128x128xf32, #tpu.memory_space<vmem>>
      %dma_start3A_391 = arith.constant 0 : i32
      %dma_start3A_392 = tpu.memref_slice %arg5[%add3A_387, %dma_start3A_391] : memref<200x128xi32, #tpu.memory_space<vmem>> -> memref<1x128xi32, #tpu.memory_space<vmem>>
      %dma_start3A_393 = tpu.memref_squeeze %dma_start3A_392 : memref<1x128xi32, #tpu.memory_space<vmem>> -> memref<128xi32, #tpu.memory_space<vmem>>
      %dma_start3A_394 = arith.constant 0 : i32
      %dma_start3A_395 = arith.constant 0 : i32
      %dma_start3A_396 = tpu.memref_slice %arg3[%dma_start3A_394, %dma_start3A_395] : memref<100000x128xf32, #tpu.memory_space<hbm>> -> memref<100000x128xf32, #tpu.memory_space<hbm>>
      tpu.enqueue_indirect_dma source(%dma_start3A_396 : memref<100000x128xf32, #tpu.memory_space<hbm>>) target(%dma_start3A_390 : memref<128x128xf32, #tpu.memory_space<vmem>>) offsets(%dma_start3A_393 : memref<128xi32, #tpu.memory_space<vmem>>) semaphore(%arg11 : memref<!tpu.dma_semaphore, #tpu.memory_space<semaphore_mem>>)
      %mul3A_397 = arith.constant 256 : i32
      %mul3A_398 = arith.muli %add3A_344, %mul3A_397 : i32
      %add3A_399 = arith.addi %mul3A_2, %mul3A_398 : i32
      %dma_start3A_400 = arith.constant 0 : i32
      %dma_start3A_401 = tpu.memref_slice %arg4[%add3A_399, %dma_start3A_400] : memref<819200x128xf32, #tpu.memory_space<hbm>> -> memref<256x128xf32, #tpu.memory_space<hbm>>
      %dma_start3A_402 = arith.constant 0 : i32
      %dma_start3A_403 = tpu.memref_slice %arg4[%add3A_399, %dma_start3A_402] : memref<819200x128xf32, #tpu.memory_space<hbm>> -> memref<256x128xf32, #tpu.memory_space<hbm>>
      tpu.enqueue_dma source(%arg7 : memref<256x128xf32, #tpu.memory_space<vmem>>) target(%dma_start3A_403 : memref<256x128xf32, #tpu.memory_space<hbm>>) target_semaphore(%arg13 : memref<!tpu.dma_semaphore, #tpu.memory_space<semaphore_mem>>)
    }
    %scan3A_119 = arith.constant 32 : i32
    %dma_wait3A_120 = arith.constant 0 : i32
    %dma_wait3A_121 = arith.constant 0 : i32
    %dma_wait3A_122 = arith.constant 0 : i32
    %dma_wait3A_123 = tpu.memref_slice %arg8[%dma_wait3A_121, %dma_wait3A_122] : memref<256x128xf32, #tpu.memory_space<vmem>> -> memref<128x128xf32, #tpu.memory_space<vmem>>
    %dma_wait3A_124 = arith.constant 0 : i32
    %dma_wait3A_125 = tpu.memref_slice %arg5[%dma_wait3A_120, %dma_wait3A_124] : memref<200x128xi32, #tpu.memory_space<vmem>> -> memref<1x128xi32, #tpu.memory_space<vmem>>
    %dma_wait3A_126 = tpu.memref_squeeze %dma_wait3A_125 : memref<1x128xi32, #tpu.memory_space<vmem>> -> memref<128xi32, #tpu.memory_space<vmem>>
    %dma_wait3A_127 = arith.constant 0 : i32
    %dma_wait3A_128 = arith.constant 0 : i32
    %dma_wait3A_129 = tpu.memref_slice %arg3[%dma_wait3A_127, %dma_wait3A_128] : memref<100000x128xf32, #tpu.memory_space<hbm>> -> memref<100000x128xf32, #tpu.memory_space<hbm>>
    tpu.wait_indirect_dma semaphore(%arg11 : memref<!tpu.dma_semaphore, #tpu.memory_space<semaphore_mem>>) src(%dma_wait3A_129 : memref<100000x128xf32, #tpu.memory_space<hbm>>) dst(%dma_wait3A_123 : memref<128x128xf32, #tpu.memory_space<vmem>>)
    %dma_wait3A_130 = arith.constant 0 : i32
    %dma_wait3A_131 = arith.constant 0 : i32
    %dma_wait3A_132 = arith.constant 0 : i32
    %dma_wait3A_133 = tpu.memref_slice %arg8[%dma_wait3A_131, %dma_wait3A_132] : memref<256x128xf32, #tpu.memory_space<vmem>> -> memref<128x128xf32, #tpu.memory_space<vmem>>
    %dma_wait3A_134 = arith.constant 0 : i32
    %dma_wait3A_135 = tpu.memref_slice %arg5[%dma_wait3A_130, %dma_wait3A_134] : memref<200x128xi32, #tpu.memory_space<vmem>> -> memref<1x128xi32, #tpu.memory_space<vmem>>
    %dma_wait3A_136 = tpu.memref_squeeze %dma_wait3A_135 : memref<1x128xi32, #tpu.memory_space<vmem>> -> memref<128xi32, #tpu.memory_space<vmem>>
    %dma_wait3A_137 = arith.constant 0 : i32
    %dma_wait3A_138 = arith.constant 0 : i32
    %dma_wait3A_139 = tpu.memref_slice %arg3[%dma_wait3A_137, %dma_wait3A_138] : memref<100000x128xf32, #tpu.memory_space<hbm>> -> memref<100000x128xf32, #tpu.memory_space<hbm>>
    tpu.wait_indirect_dma semaphore(%arg11 : memref<!tpu.dma_semaphore, #tpu.memory_space<semaphore_mem>>) src(%dma_wait3A_139 : memref<100000x128xf32, #tpu.memory_space<hbm>>) dst(%dma_wait3A_133 : memref<128x128xf32, #tpu.memory_space<vmem>>)
    %dma_wait3A_140 = arith.constant 0 : i32
    %dma_wait3A_141 = tpu.memref_slice %arg4[%mul3A_2, %dma_wait3A_140] : memref<819200x128xf32, #tpu.memory_space<hbm>> -> memref<256x128xf32, #tpu.memory_space<hbm>>
    %dma_wait3A_142 = arith.constant 0 : i32
    %dma_wait3A_143 = tpu.memref_slice %arg4[%mul3A_2, %dma_wait3A_142] : memref<819200x128xf32, #tpu.memory_space<hbm>> -> memref<256x128xf32, #tpu.memory_space<hbm>>
    tpu.wait_dma2 semaphore(%arg12 : memref<!tpu.dma_semaphore, #tpu.memory_space<semaphore_mem>>) src(%arg6 : memref<256x128xf32, #tpu.memory_space<vmem>>) dst(%dma_wait3A_143 : memref<256x128xf32, #tpu.memory_space<hbm>>)
    %dma_start3A_144 = arith.constant 198 : i32
    %dma_start3A_145 = arith.constant 0 : i32
    %dma_start3A_146 = arith.constant 0 : i32
    %dma_start3A_147 = tpu.memref_slice %arg6[%dma_start3A_145, %dma_start3A_146] : memref<256x128xf32, #tpu.memory_space<vmem>> -> memref<128x128xf32, #tpu.memory_space<vmem>>
    %dma_start3A_148 = arith.constant 0 : i32
    %dma_start3A_149 = tpu.memref_slice %arg5[%dma_start3A_144, %dma_start3A_148] : memref<200x128xi32, #tpu.memory_space<vmem>> -> memref<1x128xi32, #tpu.memory_space<vmem>>
    %dma_start3A_150 = tpu.memref_squeeze %dma_start3A_149 : memref<1x128xi32, #tpu.memory_space<vmem>> -> memref<128xi32, #tpu.memory_space<vmem>>
    %dma_start3A_151 = arith.constant 0 : i32
    %dma_start3A_152 = arith.constant 0 : i32
    %dma_start3A_153 = tpu.memref_slice %arg3[%dma_start3A_151, %dma_start3A_152] : memref<100000x128xf32, #tpu.memory_space<hbm>> -> memref<100000x128xf32, #tpu.memory_space<hbm>>
    tpu.enqueue_indirect_dma source(%dma_start3A_153 : memref<100000x128xf32, #tpu.memory_space<hbm>>) target(%dma_start3A_147 : memref<128x128xf32, #tpu.memory_space<vmem>>) offsets(%dma_start3A_150 : memref<128xi32, #tpu.memory_space<vmem>>) semaphore(%arg9 : memref<!tpu.dma_semaphore, #tpu.memory_space<semaphore_mem>>)
    %dma_start3A_154 = arith.constant 199 : i32
    %dma_start3A_155 = arith.constant 128 : i32
    %dma_start3A_156 = arith.constant 0 : i32
    %dma_start3A_157 = tpu.memref_slice %arg6[%dma_start3A_155, %dma_start3A_156] : memref<256x128xf32, #tpu.memory_space<vmem>> -> memref<128x128xf32, #tpu.memory_space<vmem>>
    %dma_start3A_158 = arith.constant 0 : i32
    %dma_start3A_159 = tpu.memref_slice %arg5[%dma_start3A_154, %dma_start3A_158] : memref<200x128xi32, #tpu.memory_space<vmem>> -> memref<1x128xi32, #tpu.memory_space<vmem>>
    %dma_start3A_160 = tpu.memref_squeeze %dma_start3A_159 : memref<1x128xi32, #tpu.memory_space<vmem>> -> memref<128xi32, #tpu.memory_space<vmem>>
    %dma_start3A_161 = arith.constant 0 : i32
    %dma_start3A_162 = arith.constant 0 : i32
    %dma_start3A_163 = tpu.memref_slice %arg3[%dma_start3A_161, %dma_start3A_162] : memref<100000x128xf32, #tpu.memory_space<hbm>> -> memref<100000x128xf32, #tpu.memory_space<hbm>>
    tpu.enqueue_indirect_dma source(%dma_start3A_163 : memref<100000x128xf32, #tpu.memory_space<hbm>>) target(%dma_start3A_157 : memref<128x128xf32, #tpu.memory_space<vmem>>) offsets(%dma_start3A_160 : memref<128xi32, #tpu.memory_space<vmem>>) semaphore(%arg9 : memref<!tpu.dma_semaphore, #tpu.memory_space<semaphore_mem>>)
    %add3A_164 = arith.constant 25088 : i32
    %add3A_165 = arith.addi %mul3A_2, %add3A_164 : i32
    %dma_start3A_166 = arith.constant 0 : i32
    %dma_start3A_167 = tpu.memref_slice %arg4[%add3A_165, %dma_start3A_166] : memref<819200x128xf32, #tpu.memory_space<hbm>> -> memref<256x128xf32, #tpu.memory_space<hbm>>
    %dma_start3A_168 = arith.constant 0 : i32
    %dma_start3A_169 = tpu.memref_slice %arg4[%add3A_165, %dma_start3A_168] : memref<819200x128xf32, #tpu.memory_space<hbm>> -> memref<256x128xf32, #tpu.memory_space<hbm>>
    tpu.enqueue_dma source(%arg8 : memref<256x128xf32, #tpu.memory_space<vmem>>) target(%dma_start3A_169 : memref<256x128xf32, #tpu.memory_space<hbm>>) target_semaphore(%arg14 : memref<!tpu.dma_semaphore, #tpu.memory_space<semaphore_mem>>)
    %dma_wait3A_170 = arith.constant 0 : i32
    %dma_wait3A_171 = arith.constant 0 : i32
    %dma_wait3A_172 = arith.constant 0 : i32
    %dma_wait3A_173 = tpu.memref_slice %arg6[%dma_wait3A_171, %dma_wait3A_172] : memref<256x128xf32, #tpu.memory_space<vmem>> -> memref<128x128xf32, #tpu.memory_space<vmem>>
    %dma_wait3A_174 = arith.constant 0 : i32
    %dma_wait3A_175 = tpu.memref_slice %arg5[%dma_wait3A_170, %dma_wait3A_174] : memref<200x128xi32, #tpu.memory_space<vmem>> -> memref<1x128xi32, #tpu.memory_space<vmem>>
    %dma_wait3A_176 = tpu.memref_squeeze %dma_wait3A_175 : memref<1x128xi32, #tpu.memory_space<vmem>> -> memref<128xi32, #tpu.memory_space<vmem>>
    %dma_wait3A_177 = arith.constant 0 : i32
    %dma_wait3A_178 = arith.constant 0 : i32
    %dma_wait3A_179 = tpu.memref_slice %arg3[%dma_wait3A_177, %dma_wait3A_178] : memref<100000x128xf32, #tpu.memory_space<hbm>> -> memref<100000x128xf32, #tpu.memory_space<hbm>>
    tpu.wait_indirect_dma semaphore(%arg9 : memref<!tpu.dma_semaphore, #tpu.memory_space<semaphore_mem>>) src(%dma_wait3A_179 : memref<100000x128xf32, #tpu.memory_space<hbm>>) dst(%dma_wait3A_173 : memref<128x128xf32, #tpu.memory_space<vmem>>)
    %dma_wait3A_180 = arith.constant 0 : i32
    %dma_wait3A_181 = arith.constant 0 : i32
    %dma_wait3A_182 = arith.constant 0 : i32
    %dma_wait3A_183 = tpu.memref_slice %arg6[%dma_wait3A_181, %dma_wait3A_182] : memref<256x128xf32, #tpu.memory_space<vmem>> -> memref<128x128xf32, #tpu.memory_space<vmem>>
    %dma_wait3A_184 = arith.constant 0 : i32
    %dma_wait3A_185 = tpu.memref_slice %arg5[%dma_wait3A_180, %dma_wait3A_184] : memref<200x128xi32, #tpu.memory_space<vmem>> -> memref<1x128xi32, #tpu.memory_space<vmem>>
    %dma_wait3A_186 = tpu.memref_squeeze %dma_wait3A_185 : memref<1x128xi32, #tpu.memory_space<vmem>> -> memref<128xi32, #tpu.memory_space<vmem>>
    %dma_wait3A_187 = arith.constant 0 : i32
    %dma_wait3A_188 = arith.constant 0 : i32
    %dma_wait3A_189 = tpu.memref_slice %arg3[%dma_wait3A_187, %dma_wait3A_188] : memref<100000x128xf32, #tpu.memory_space<hbm>> -> memref<100000x128xf32, #tpu.memory_space<hbm>>
    tpu.wait_indirect_dma semaphore(%arg9 : memref<!tpu.dma_semaphore, #tpu.memory_space<semaphore_mem>>) src(%dma_wait3A_189 : memref<100000x128xf32, #tpu.memory_space<hbm>>) dst(%dma_wait3A_183 : memref<128x128xf32, #tpu.memory_space<vmem>>)
    %dma_wait3A_190 = arith.constant 0 : i32
    %dma_wait3A_191 = tpu.memref_slice %arg4[%mul3A_2, %dma_wait3A_190] : memref<819200x128xf32, #tpu.memory_space<hbm>> -> memref<256x128xf32, #tpu.memory_space<hbm>>
    %dma_wait3A_192 = arith.constant 0 : i32
    %dma_wait3A_193 = tpu.memref_slice %arg4[%mul3A_2, %dma_wait3A_192] : memref<819200x128xf32, #tpu.memory_space<hbm>> -> memref<256x128xf32, #tpu.memory_space<hbm>>
    tpu.wait_dma2 semaphore(%arg13 : memref<!tpu.dma_semaphore, #tpu.memory_space<semaphore_mem>>) src(%arg7 : memref<256x128xf32, #tpu.memory_space<vmem>>) dst(%dma_wait3A_193 : memref<256x128xf32, #tpu.memory_space<hbm>>)
    %add3A_194 = arith.constant 25344 : i32
    %add3A_195 = arith.addi %mul3A_2, %add3A_194 : i32
    %dma_start3A_196 = arith.constant 0 : i32
    %dma_start3A_197 = tpu.memref_slice %arg4[%add3A_195, %dma_start3A_196] : memref<819200x128xf32, #tpu.memory_space<hbm>> -> memref<256x128xf32, #tpu.memory_space<hbm>>
    %dma_start3A_198 = arith.constant 0 : i32
    %dma_start3A_199 = tpu.memref_slice %arg4[%add3A_195, %dma_start3A_198] : memref<819200x128xf32, #tpu.memory_space<hbm>> -> memref<256x128xf32, #tpu.memory_space<hbm>>
    tpu.enqueue_dma source(%arg6 : memref<256x128xf32, #tpu.memory_space<vmem>>) target(%dma_start3A_199 : memref<256x128xf32, #tpu.memory_space<hbm>>) target_semaphore(%arg12 : memref<!tpu.dma_semaphore, #tpu.memory_space<semaphore_mem>>)
    %dma_wait3A_200 = arith.constant 0 : i32
    %dma_wait3A_201 = tpu.memref_slice %arg4[%mul3A_2, %dma_wait3A_200] : memref<819200x128xf32, #tpu.memory_space<hbm>> -> memref<256x128xf32, #tpu.memory_space<hbm>>
    %dma_wait3A_202 = arith.constant 0 : i32
    %dma_wait3A_203 = tpu.memref_slice %arg4[%mul3A_2, %dma_wait3A_202] : memref<819200x128xf32, #tpu.memory_space<hbm>> -> memref<256x128xf32, #tpu.memory_space<hbm>>
    tpu.wait_dma2 semaphore(%arg14 : memref<!tpu.dma_semaphore, #tpu.memory_space<semaphore_mem>>) src(%arg8 : memref<256x128xf32, #tpu.memory_space<vmem>>) dst(%dma_wait3A_203 : memref<256x128xf32, #tpu.memory_space<hbm>>)
    %dma_wait3A_204 = arith.constant 0 : i32
    %dma_wait3A_205 = tpu.memref_slice %arg4[%mul3A_2, %dma_wait3A_204] : memref<819200x128xf32, #tpu.memory_space<hbm>> -> memref<256x128xf32, #tpu.memory_space<hbm>>
    %dma_wait3A_206 = arith.constant 0 : i32
    %dma_wait3A_207 = tpu.memref_slice %arg4[%mul3A_2, %dma_wait3A_206] : memref<819200x128xf32, #tpu.memory_space<hbm>> -> memref<256x128xf32, #tpu.memory_space<hbm>>
    tpu.wait_dma2 semaphore(%arg12 : memref<!tpu.dma_semaphore, #tpu.memory_space<semaphore_mem>>) src(%arg6 : memref<256x128xf32, #tpu.memory_space<vmem>>) dst(%dma_wait3A_207 : memref<256x128xf32, #tpu.memory_space<hbm>>)
    return
  }
}

</mosaic_0001>

<sc_bundles>
// kernel: kernel.3.cloned.1.call-start
scs
__scs_entry_jumppad:
0x0: {  	(pc) =	sbr.rel $0x88, $3  }
0x1: {  	(tag) =	ssettag $0x0;
	lr =	simm.s32 $0x1  }
0x2: {  	[smem:$0x3F9F] =	sst lr;
	_ =	strace $0xD0000000  }
0x3: {  	_ = 	snop  }
0x4: {  	_ = 	snop  }
0x5: {  	_ = 	snop  }
0x6: {  	_ = 	snop  }
0x7: {  	_ = 	snop  }
__scs_overlays_trampoline_lowered:
0x8: {  	[smem:$0x3FAE] =	sst s0  }
0x9: {  	[smem:$0x3FAF] =	sst s1  }
0xa: {  	[smem:$0x3FB0] =	sst s2  }
0xb: {  	[smem:$0x3FB1] =	sst s3  }
0xc: {  	[smem:$0x3FB2] =	sst s4  }
0xd: {  	[smem:$0x3FB3] =	sst s5  }
0xe: {  	[smem:$0x3FB4] =	sst s6  }
0xf: {  	[smem:$0x3FB5] =	sst s7  }
0x10: {  	[smem:$0x3FB6] =	sst s8  }
0x11: {  	[smem:$0x3FB7] =	sst s9;
	s0 =	simm.s32 @!p0 $0x0  }
0x12: {  	s1 =	sld [smem:$0x3F9D];
	s0 =	simm.s32 @p0 $0x1  }
0x13: {  	[smem:$0x3FB8] =	sst s0;
	s0 =	simm.s32 @!p1 $0x0  }
0x14: {  	s2 =	sld [smem:$0x3F9C];
	s0 =	simm.s32 @p1 $0x1  }
0x15: {  	[smem:$0x3FB9] =	sst s0;
	s0 =	simm.s32 @!p2 $0x0  }
0x16: {  	s3 =	sld [smem:$0x3FDB];
	s0 =	simm.s32 @p2 $0x1  }
0x17: {  	s4 =	simm.s32 $0x1BF5;
	[smem:$0x3FBB] =	sst s0  }
0x18: {  	s0 =	sld [smem:$0x3F9E];
	_ =	swait.ge [sflag:s4], $0x0  }
0x19: {  	s7 =	sld [smem:$0x3F9F]  }
0x1a: {  	s8 =	sadd.s32 $0xFFFFE003, lr  }
0x1b: {  	s9 =	sadd.s32 $0xFFFFFEF7, lr;
	s5 =	simm.s32 $0xFFFFFFFF;
	p2 =	slt.u32 s8, $0xFFFFF086  }
0x1c: {  	p1 =	slt.u32 s9, $0xF7A;
	s5 =	simm.s32 @!p2 $0x0  }
0x1d: {  	s5 =	simm.s32 @p1 $0x1;
	p0 =	seq.s32 s7, s2  }
0x1e: {  	s7 =	smul.u32 @!p0 $0xF7A, s2;
	p2 =	seq.s32 @!p0 s5, $0x0  }
0x1f: {  	s9 =	smul.u32 $0xF7A, s1;
	s8 =	simm.s32 @!p0 $0x1BF5;
	p2 =	por !p2, p0  }
0x20: {  	[sflag:s8] =	ssyncset.s32 @!p0 $0xFFFFF086;
	s6 =	sadd.s32 @!p0 s3, s7;
	s7 =	simm.s32 @!p0 $0x108  }
0x21: {  	s3 =	sadd.s32 s3, s9;
	s6 =	sadd.s32 @!p0 $0x88, s6;
	s7 =	simm.s32 @p2 $0x1082  }
0x22: {  	[simem:s7], [sflag:s8] =	dma.local @!p0 [hbm:s6], $0xF7A  }
0x23: {  	s9 =	sor.u32 $0xD0000000, s2;
	s6 =	simm.s32 $0x108;
	_ =	swait.ge @!p0 [sflag:s8], $0x0  }
0x24: {  	s3 =	sadd.s32 $0x88, s3;
	s6 =	simm.s32 @!p1 $0x1082;
	[sflag:s4] =	ssyncset.s32 $0xFFFFF086  }
0x25: {  	[simem:s6], [sflag:s4] =	dma.local [hbm:s3], $0xF7A  }
0x26: {  	[smem:$0x3F9F] =	sst s1;
	(tag) =	ssettag s2;
	_ =	strace s9  }
0x27: {  	s1 =	sld [smem:$0x3FAF]  }
0x28: {  	s2 =	sld [smem:$0x3FB0]  }
0x29: {  	s4 =	sld [smem:$0x3FB2]  }
0x2a: {  	p0 =	seq.s32 s5, $0x0;
	s5 =	sld [smem:$0x3FB3]  }
0x2b: {  	s6 =	sld [smem:$0x3FB4]  }
0x2c: {  	s7 =	sld [smem:$0x3FB5]  }
0x2d: {  	s3 =	simm.s32 $0x108;
	s8 =	sld [smem:$0x3FB6]  }
0x2e: {  	s3 =	simm.s32 @!p0 $0x1082;
	s9 =	sld [smem:$0x3FB7]  }
0x2f: {  	lr =	sadd.s32 s0, s3;
	s0 =	sld [smem:$0x3FAE]  }
0x30: {  	s3 =	sld [smem:$0x3FB1]  }
0x31: {  	[smem:$0x3FBA] =	sst s10  }
0x32: {  	s10 =	sld [smem:$0x3FB8];
	_ =	sdelay $0x3  }
0x33: {  	p0 =	seq.s32 s10, $0x1;
	s10 =	sld [smem:$0x3FBA];
	_ =	sdelay $0x3  }
0x34: {  	[smem:$0x3FBA] =	sst s10  }
0x35: {  	s10 =	sld [smem:$0x3FB9];
	_ =	sdelay $0x3  }
0x36: {  	p1 =	seq.s32 s10, $0x1;
	s10 =	sld [smem:$0x3FBA];
	_ =	sdelay $0x3  }
0x37: {  	[smem:$0x3FBA] =	sst s10  }
0x38: {  	s10 =	sld [smem:$0x3FBB]  }
0x39: {  	_ = 	snop;
	(pc) =	sbr.ind lr, $3  }
0x3a: {  	_ = 	snop  }
0x3b: {  	_ = 	snop  }
0x3c: {  	p2 =	seq.s32 s10, $0x1;
	s10 =	sld [smem:$0x3FBA]  }
0x3d: {  	_ =	shalt  }
0x3e: {  	_ =	shalt  }
0x3f: {  	_ =	shalt  }
0x40: {  	_ =	shalt  }
0x41: {  	_ =	shalt  }
0x42: {  	_ =	shalt  }
0x43: {  	_ =	shalt  }
0x44: {  	_ =	shalt  }
0x45: {  	_ =	shalt  }
0x46: {  	_ =	shalt  }
0x47: {  	_ =	shalt  }
0x48: {  	_ =	shalt  }
0x49: {  	_ =	shalt  }
0x4a: {  	_ =	shalt  }
0x4b: {  	_ =	shalt  }
0x4c: {  	_ =	shalt  }
0x4d: {  	_ =	shalt  }
0x4e: {  	_ =	shalt  }
0x4f: {  	_ =	shalt  }
0x50: {  	_ =	shalt  }
0x51: {  	_ =	shalt  }
0x52: {  	_ =	shalt  }
0x53: {  	_ =	shalt  }
0x54: {  	_ =	shalt  }
0x55: {  	_ =	shalt  }
0x56: {  	_ =	shalt  }
0x57: {  	_ =	shalt  }
0x58: {  	_ =	shalt  }
0x59: {  	_ =	shalt  }
0x5a: {  	_ =	shalt  }
0x5b: {  	_ =	shalt  }
0x5c: {  	_ =	shalt  }
0x5d: {  	_ =	shalt  }
0x5e: {  	_ =	shalt  }
0x5f: {  	_ =	shalt  }
0x60: {  	_ =	shalt  }
0x61: {  	_ =	shalt  }
0x62: {  	_ =	shalt  }
0x63: {  	_ =	shalt  }
0x64: {  	_ =	shalt  }
0x65: {  	_ =	shalt  }
0x66: {  	_ =	shalt  }
0x67: {  	_ =	shalt  }
0x68: {  	_ =	shalt  }
0x69: {  	_ =	shalt  }
0x6a: {  	_ =	shalt  }
0x6b: {  	_ =	shalt  }
0x6c: {  	_ =	shalt  }
0x6d: {  	_ =	shalt  }
0x6e: {  	_ =	shalt  }
0x6f: {  	_ =	shalt  }
0x70: {  	_ =	shalt  }
0x71: {  	_ =	shalt  }
0x72: {  	_ =	shalt  }
0x73: {  	_ =	shalt  }
0x74: {  	_ =	shalt  }
0x75: {  	_ =	shalt  }
0x76: {  	_ =	shalt  }
0x77: {  	_ =	shalt  }
0x78: {  	_ =	shalt  }
0x79: {  	_ =	shalt  }
0x7a: {  	_ =	shalt  }
0x7b: {  	_ =	shalt  }
0x7c: {  	_ =	shalt  }
0x7d: {  	_ =	shalt  }
0x7e: {  	_ =	shalt  }
0x7f: {  	_ =	shalt  }
0x80: {  	_ =	shalt  }
0x81: {  	_ =	shalt  }
0x82: {  	_ =	shalt  }
0x83: {  	_ =	shalt  }
0x84: {  	_ =	shalt  }
0x85: {  	_ =	shalt  }
0x86: {  	_ =	shalt  }
0x87: {  	_ =	shalt  }
.Lfunc_end0:
.L_simem_size_0:
called_computation_lowered:
.L_overlay_start_0:
0x88: {  	s2 =	sld [smem:$0x3FD9]  }
0x89: {  	s3 =	sld [smem:$0x3FFE];
	_ =	sdelay $0x1  }
0x8a: {  	s1 =	srdreg.scid  }
0x8b: {  	s0 =	sand.u32 $0x1, s1  }
0x8c: {  	s17 =	sshll.u32 s0, $0xA;
	s2 =	sadd.s32 s3, s2  }
0x8d: {  	s2 =	sadd.s32 s2, s17  }
0x8e: {  	[smem:$0x3FC6] =	sst s2  }
0x8f: {  	_ = 	snop  }
0x90: {  	s2 =	sld [smem:$0x3FC8]  }
0x91: {  	s18 =	sld [smem:$0x3FD0];
	(tm) =	ssettm $0x1  }
0x92: {  	s4 =	sld [smem:$0x3FFB];
	_ =	sdelay $0x3  }
0x93: {  	_ =	strace s4  }
0x94: {  	s4 =	sld [smem:$0x3FFC];
	_ =	sdelay $0x3  }
0x95: {  	_ =	strace s4  }
0x96: {  	s4 =	sld [smem:$0x3FFD];
	_ =	sdelay $0x3  }
0x97: {  	_ =	strace s4  }
0x98: {  	_ =	strace $0x8FFFFFFF  }
0x99: {  	s19 =	sld [smem:$0x3FDB];
	_ =	sdelay $0x1  }
0x9a: {  	s5 =	simm.s32 $_scs_section_size  }
0x9b: {  	s6 =	simm.s32 $_size__tile_overlayer_lowered;
	s7 =	simm.s32 $_tile_overlayer_lowered  }
0x9c: {  	s22 =	simm.s32 $0x1BFF;
	s21 =	sshll.u32 s7, $0x1;
	s4 =	sadd.s32 s5, s19  }
0x9d: {  	s8 =	simm.s32 $0x0;
	s20 =	sshll.u32 s6, $0x1;
	s6 =	sadd.s32 s21, s4  }
0x9e: {  	[timem:s8], [sflag:s22] =	dma.local [hbm:s6], s20  }
0x9f: {  	_ =	swait.ge [sflag:s22], s20  }
0xa0: {  	s5 =	ssub.s32 $0x0, s20;
	[sflag:s22] =	ssyncset.done $0x0  }
0xa1: {  	[sflag:s22] =	ssyncadd.s32 s5;
	_ =	sdelay $0x1  }
0xa2: {  	s23 =	simm.s32 $0x1B8B  }
0xa3: {  	_ =	swait.ge [sflag:s23], $0x1  }
0xa4: {  	[sflag:s23] =	ssyncset.done $0x0  }
0xa5: {  	s25 =	simm.s32 $0x1B8E;
	s24 =	sld [smem:$0x3FFE];
	[sflag:s23] =	ssyncadd.s32 $0xFFFFFFFF  }
0xa6: {  	s26 =	simm.s32 $execute0_lowered;
	[smem:$0x3FD2] =	sst s25  }
0xa7: {  	s6 =	sshll.u32 s26, $0x1;
	_ =	strace $0x80000046;
	[dreg:$0x1] =	wrdreg $0xFFFFFFFF  }
0xa8: {  	s28 =	simm.s32 $_size_execute0_lowered;
	s4 =	sadd.s32 s4, s6;
	[dreg:$0x0] =	wrdreg $0x0  }
0xa9: {  	s6 =	sshll.u32 s28, $0x1;
	[dreg:$0x2] =	wrdreg s4  }
0xaa: {  	[dreg:$0x3] =	wrdreg s6  }
0xab: {  	[dreg:$0x4] =	wrdreg $0xC0  }
0xac: {  	_ =	task [dreg:s8], $0x5FFFF  }
0xad: {  	[dreg:$0x1] =	wrdreg $0xFFFFFFFF  }
0xae: {  	[dreg:$0x0] =	wrdreg $0x60  }
0xaf: {  	[dreg:$0x2] =	wrdreg s24  }
0xb0: {  	[dreg:$0x3] =	wrdreg s2  }
0xb1: {  	[dreg:$0x4] =	wrdreg s18  }
0xb2: {  	[dreg:$0x5] =	wrdreg $0x9  }
0xb3: {  	_ =	task.clear_ibuf [dreg:s8], $0x6FFFF;
	_ =	strace $0x90000046  }
0xb4: {  	s29 =	simm.s32 $0x9;
	_ =	strace $0x80000048  }
0xb5: {  	_ =	swait.ge [sflag:s29], $0x1  }
0xb6: {  	[sflag:s29] =	ssyncadd.s32 $0xFFFFFFFF  }
0xb7: {  	_ =	strace $0x90000048  }
0xb8: {  	_ =	sfence  }
0xb9: {  	s30 =	sld [smem:$0x0];
	_ =	sdelay $0x2  }
0xba: {  	s31 =	sshll.u32 s1, $0xD;
	s1 =	sshrl.u32 s1, $0x2  }
0xbb: {  	s3 =	sand.u32 $0x4000, s31;
	s1 =	sadd.s32 s1, s30  }
0xbc: {  	s0 =	sor.u32 s3, s0;
	s1 =	sshll.u32 s1, $0x11  }
0xbd: {  	s0 =	sor.u32 s1, s0  }
0xbe: {  	s0 =	sadd.s32 $0x8F2B, s0  }
0xbf: {  	[sflag:s0] =	ssyncadd.remote.s32 $0x1  }
0xc0: {  	_ =	sfence.sel $0xFFFF  }
0xc1: {  	[dreg:$0x0] =	wrdreg $0xFFFFFFFF;
	(pc) =	sbr.abs _section_cstart, $3  }
0xc2: {  	[dreg:$0x1] =	wrdreg $0xFFFFFFFF  }
0xc3: {  	_ =	task.clear_ibuf [dreg:s8], $0x2FFFF;
	_ =	strace $0x9FFFFFFF  }
0xc4: {  	(tm) =	ssettm $0x7FFFFFFF  }
0xc5: {  	_ =	shalt  }
tec
execute0_lowered:
.L_overlay_start_1:
0x0: {  	(tag) =	ssettag $0x1  }
0x1: {  	s0 =	rddreg [dreg:$0x0]  }
0x2: {  	s1 =	srdreg.scid;
	s2 =	rddreg [dreg:$0x1]  }
0x3: {  	s13 =	stileid.u32;
	s4 =	rddreg [dreg:$0x2];
	s14 =	simm.s32 $0x80  }
0x4: {  	s15 =	simm.s32 $0x6400;
	s16 =	simm.s32 $0xA400;
	s17 =	simm.s32 $0x1  }
0x5: {  	s19 =	simm.s32 $0xE400;
	s28 =	simm.s32 $0x3;
	s11 =	smul.u32 $0x640000, s13  }
0x6: {  	s29 =	simm.s32 $0x4;
	s1 =	sand.u32 $0x1, s1;
	s23 =	smul.u32 $0xC8000, s13  }
0x7: {  	s30 =	simm.s32 $0x5;
	s3 =	sshll.u32 s13, $0x1;
	s12 =	smul.u32 $0x320000, s1  }
0x8: {  	s5 =	sor.u32 s1, s3;
	s7 =	ssub.s32 $0x2, s1;
	s1 =	smul.u32 $0x64000, s1  }
0x9: {  	s31 =	simm.s32 $0x6;
	s18 =	simm.s32 $0x0;
	s6 =	smul.u32 $0xC80, s5  }
0xa: {  	s13 =	simm.s32 $0x7;
	s3 =	simm.s32 $0x0;
	s8 =	smul.u32 $0x64000, s5  }
0xb: {  	[smem:$0x7FF] =	sst s3;
	s20 =	sshrl.u32 s7, $0x1;
	s9 =	smul.u32 $0x320000, s5  }
0xc: {  	_ =	strace $0x80000047;
	s10 =	ssub.s32 s7, s20;
	s24 =	sadd.s32 s12, s11  }
0xd: {  	s0 =	sadd.s32 s6, s0;
	s5 =	sadd.s32 s4, s8;
	s21 =	sshrl.u32 s9, $0x3  }
0xe: {  	s9 =	smax.u32 s10, $0x1;
	s11 =	sadd.s32 $0x20000, s24;
	s10 =	sor.u32 $0x18000, s24  }
0xf: {  	s24 =	simm.s32 $0x16400;
	s0 =	sadd.s32 $0x400, s0;
	s22 =	sadd.s32 $0x1000, s5  }
0x10: {  	s25 =	sshrl.u32 s11, $0x3;
	s26 =	sshrl.u32 s10, $0x3;
	[dreg:$0x4] =	wrdreg s0  }
0x11: {  	[dreg:$0x5] =	wrdreg s22;
	s0 =	sadd.s32 s4, s21;
	s12 =	sadd.s32 s26, s4  }
0x12: {  	s7 =	sadd.s32 $0x62000, s0;
	s8 =	sadd.s32 $0x63000, s0;
	s0 =	sadd.s32 s23, s4  }
0x13: {  	s21 =	simm.s32 $0x12400;
	s22 =	simm.s32 $0x2;
	s0 =	sadd.s32 s1, s0  }
0x14: {  	s26 =	simm.s32 $0x1A400;
	s10 =	sadd.s32 $0x2000, s0;
	s0 =	sadd.s32 s25, s4  }
.LBB2_1:
0x15: {  	s1 =	rddreg [dreg:$0x4]  }
0x16: {  	[tilespmem:s3], [sflag:$0x7] =	stream.linear.gather [hbm4b:s1+s3], $0x6400, $0x38;
	[tilespmem:$0x1E400] =	vst v63  }
0x17: {  	_ =	swait.ge [sflag:s13], $0x6400  }
0x18: {  	[sflag:s13] =	ssyncset.done $0x0  }
0x19: {  	[sflag:s13] =	ssyncadd.s32 $0xFFFF9C00  }
0x1a: {  	[tilespmem:s15], [sflag:$0x1] =	stream.indirect.gather [hbm4b:s2+s14], $0x80, s3, s14, $0xb8;
	[tilespmem:$0x1E400] =	vst v63  }
0x1b: {  	_ = 	snop  }
0x1c: {  	[tilespmem:s16], [sflag:$0x1] =	stream.indirect.gather [hbm4b:s2+s14], $0x80, s14, s14, $0xb8;
	[tilespmem:$0x1E400] =	vst v63  }
0x1d: {  	_ =	swait.ge [sflag:s17], $0x4000  }
0x1e: {  	[sflag:s17] =	ssyncset.done $0x0  }
0x1f: {  	[sflag:s17] =	ssyncadd.s32 $0xFFFFC000  }
0x20: {  	_ =	swait.ge [sflag:s17], $0x4000  }
0x21: {  	[sflag:s17] =	ssyncset.done $0x0  }
0x22: {  	s6 =	simm.s32 $0x100;
	[sflag:s17] =	ssyncadd.s32 $0xFFFFC000  }
0x23: {  	[tilespmem:s19], [sflag:$0x2] =	stream.indirect.gather [hbm4b:s2+s14], $0x80, s6, s14, $0xb8;
	[tilespmem:$0x1E400] =	vst v63  }
0x24: {  	s11 =	simm.s32 $0x180  }
0x25: {  	[tilespmem:s21], [sflag:$0x2] =	stream.indirect.gather [hbm4b:s2+s14], $0x80, s11, s14, $0xb8;
	[tilespmem:$0x1E400] =	vst v63  }
0x26: {  	_ = 	snop  }
0x27: {  	[hbm4b:s5+s3] =	stream.linear.scatter [tilespmem:s15], [sflag:$0x4], $0x8000, $0x38;
	[tilespmem:$0x1E400] =	vst v63  }
0x28: {  	_ =	swait.ge [sflag:s22], $0x4000  }
0x29: {  	[sflag:s22] =	ssyncset.done $0x0  }
0x2a: {  	[sflag:s22] =	ssyncadd.s32 $0xFFFFC000  }
0x2b: {  	_ =	swait.ge [sflag:s22], $0x4000  }
0x2c: {  	[sflag:s22] =	ssyncset.done $0x0  }
0x2d: {  	s20 =	simm.s32 $0x200;
	[sflag:s22] =	ssyncadd.s32 $0xFFFFC000  }
0x2e: {  	[tilespmem:s24], [sflag:$0x3] =	stream.indirect.gather [hbm4b:s2+s14], $0x80, s20, s14, $0xb8;
	[tilespmem:$0x1E400] =	vst v63  }
0x2f: {  	s23 =	simm.s32 $0x280  }
0x30: {  	[tilespmem:s26], [sflag:$0x3] =	stream.indirect.gather [hbm4b:s2+s14], $0x80, s23, s14, $0xb8;
	[tilespmem:$0x1E400] =	vst v63  }
0x31: {  	s25 =	rddreg [dreg:$0x5]  }
0x32: {  	[hbm4b:s25+s3] =	stream.linear.scatter [tilespmem:s19], [sflag:$0x5], $0x8000, $0x38;
	[tilespmem:$0x1E400] =	vst v63  }
0x33: {  	_ =	swait.ge [sflag:s28], $0x4000  }
0x34: {  	[sflag:s28] =	ssyncset.done $0x0  }
0x35: {  	[sflag:s28] =	ssyncadd.s32 $0xFFFFC000  }
0x36: {  	_ =	swait.ge [sflag:s28], $0x4000  }
0x37: {  	[sflag:s28] =	ssyncset.done $0x0  }
0x38: {  	[sflag:s28] =	ssyncadd.s32 $0xFFFFC000  }
0x39: {  	_ =	swait.ge [sflag:s29], $0x8000  }
0x3a: {  	[sflag:s29] =	ssyncset.done $0x0  }
0x3b: {  	s4 =	simm.s32 $0x300;
	[sflag:s29] =	ssyncadd.s32 $0xFFFF8000  }
0x3c: {  	[tilespmem:s15], [sflag:$0x1] =	stream.indirect.gather [hbm4b:s2+s14], $0x80, s4, s14, $0xb8;
	[tilespmem:$0x1E400] =	vst v63  }
0x3d: {  	s6 =	simm.s32 $0x380  }
0x3e: {  	[tilespmem:s16], [sflag:$0x1] =	stream.indirect.gather [hbm4b:s2+s14], $0x80, s6, s14, $0xb8;
	[tilespmem:$0x1E400] =	vst v63  }
0x3f: {  	_ = 	snop  }
0x40: {  	[hbm4b:s10+s3] =	stream.linear.scatter [tilespmem:s24], [sflag:$0x6], $0x8000, $0x38;
	[tilespmem:$0x1E400] =	vst v63  }
0x41: {  	_ =	swait.ge [sflag:s17], $0x4000  }
0x42: {  	[sflag:s17] =	ssyncset.done $0x0  }
0x43: {  	[sflag:s17] =	ssyncadd.s32 $0xFFFFC000  }
0x44: {  	_ =	swait.ge [sflag:s17], $0x4000  }
0x45: {  	[sflag:s17] =	ssyncset.done $0x0  }
0x46: {  	[sflag:s17] =	ssyncadd.s32 $0xFFFFC000  }
0x47: {  	_ =	swait.ge [sflag:s30], $0x8000  }
0x48: {  	[sflag:s30] =	ssyncset.done $0x0  }
0x49: {  	s11 =	simm.s32 $0x400;
	[sflag:s30] =	ssyncadd.s32 $0xFFFF8000  }
0x4a: {  	[tilespmem:s19], [sflag:$0x2] =	stream.indirect.gather [hbm4b:s2+s14], $0x80, s11, s14, $0xb8;
	[tilespmem:$0x1E400] =	vst v63  }
0x4b: {  	s20 =	simm.s32 $0x480  }
0x4c: {  	[tilespmem:s21], [sflag:$0x2] =	stream.indirect.gather [hbm4b:s2+s14], $0x80, s20, s14, $0xb8;
	[tilespmem:$0x1E400] =	vst v63  }
0x4d: {  	_ = 	snop  }
0x4e: {  	[hbm4b:s12+s3] =	stream.linear.scatter [tilespmem:s15], [sflag:$0x4], $0x8000, $0x38;
	[tilespmem:$0x1E400] =	vst v63  }
0x4f: {  	_ =	swait.ge [sflag:s22], $0x4000  }
0x50: {  	[sflag:s22] =	ssyncset.done $0x0  }
0x51: {  	[sflag:s22] =	ssyncadd.s32 $0xFFFFC000  }
0x52: {  	_ =	swait.ge [sflag:s22], $0x4000  }
0x53: {  	[sflag:s22] =	ssyncset.done $0x0  }
0x54: {  	[sflag:s22] =	ssyncadd.s32 $0xFFFFC000  }
0x55: {  	_ =	swait.ge [sflag:s31], $0x8000  }
0x56: {  	[sflag:s31] =	ssyncset.done $0x0  }
0x57: {  	s23 =	simm.s32 $0x500;
	[sflag:s31] =	ssyncadd.s32 $0xFFFF8000  }
0x58: {  	[tilespmem:s24], [sflag:$0x3] =	stream.indirect.gather [hbm4b:s2+s14], $0x80, s23, s14, $0xb8;
	[tilespmem:$0x1E400] =	vst v63  }
0x59: {  	s1 =	sadd.s32 $0x3000, s12;
	s25 =	simm.s32 $0x580;
	s11 =	smov.u32 s0  }
0x5a: {  	[tilespmem:s26], [sflag:$0x3] =	stream.indirect.gather [hbm4b:s2+s14], $0x80, s25, s14, $0xb8;
	[tilespmem:$0x1E400] =	vst v63  }
0x5b: {  	s20 =	simm.s32 $0xC00;
	s23 =	sadd.s32 $0x3000, s10;
	s25 =	sadd.s32 $0x3000, s0  }
.LBB2_2:
0x5c: {  	[hbm4b:s11+s3] =	stream.linear.scatter [tilespmem:s19], [sflag:$0x5], $0x8000, $0x38;
	[tilespmem:$0x1E400] =	vst v63  }
0x5d: {  	s4 =	smov.u32 s20;
	s11 =	smov.u32 s25  }
0x5e: {  	p0 =	sne.s32 s20, $0x17400;
	s20 =	sadd.s32 $0xC00, s20;
	_ =	swait.ge [sflag:s28], $0x4000  }
0x5f: {  	[sflag:s28] =	ssyncset.done $0x0  }
0x60: {  	[sflag:s28] =	ssyncadd.s32 $0xFFFFC000  }
0x61: {  	_ =	swait.ge [sflag:s28], $0x4000  }
0x62: {  	[sflag:s28] =	ssyncset.done $0x0  }
0x63: {  	[sflag:s28] =	ssyncadd.s32 $0xFFFFC000  }
0x64: {  	_ =	swait.ge [sflag:s29], $0x8000  }
0x65: {  	s4 =	sshra.s32 s4, $0x2;
	[sflag:s29] =	ssyncset.done $0x0  }
0x66: {  	s6 =	sadd.s32 $0x300, s4;
	[sflag:s29] =	ssyncadd.s32 $0xFFFF8000  }
0x67: {  	[tilespmem:s15], [sflag:$0x1] =	stream.indirect.gather [hbm4b:s2+s14], $0x80, s6, s14, $0xb8;
	[tilespmem:$0x1E400] =	vst v63  }
0x68: {  	s6 =	sadd.s32 $0x380, s4  }
0x69: {  	[tilespmem:s16], [sflag:$0x1] =	stream.indirect.gather [hbm4b:s2+s14], $0x80, s6, s14, $0xb8;
	[tilespmem:$0x1E400] =	vst v63  }
0x6a: {  	_ = 	snop  }
0x6b: {  	[hbm4b:s23+s3] =	stream.linear.scatter [tilespmem:s24], [sflag:$0x6], $0x8000, $0x38;
	[tilespmem:$0x1E400] =	vst v63  }
0x6c: {  	_ =	swait.ge [sflag:s17], $0x4000  }
0x6d: {  	[sflag:s17] =	ssyncset.done $0x0  }
0x6e: {  	[sflag:s17] =	ssyncadd.s32 $0xFFFFC000  }
0x6f: {  	_ =	swait.ge [sflag:s17], $0x4000  }
0x70: {  	[sflag:s17] =	ssyncset.done $0x0  }
0x71: {  	[sflag:s17] =	ssyncadd.s32 $0xFFFFC000  }
0x72: {  	_ =	swait.ge [sflag:s30], $0x8000  }
0x73: {  	[sflag:s30] =	ssyncset.done $0x0  }
0x74: {  	s6 =	sadd.s32 $0x400, s4;
	[sflag:s30] =	ssyncadd.s32 $0xFFFF8000  }
0x75: {  	[tilespmem:s19], [sflag:$0x2] =	stream.indirect.gather [hbm4b:s2+s14], $0x80, s6, s14, $0xb8;
	[tilespmem:$0x1E400] =	vst v63  }
0x76: {  	s6 =	sadd.s32 $0x480, s4  }
0x77: {  	[tilespmem:s21], [sflag:$0x2] =	stream.indirect.gather [hbm4b:s2+s14], $0x80, s6, s14, $0xb8;
	[tilespmem:$0x1E400] =	vst v63  }
0x78: {  	_ = 	snop  }
0x79: {  	[hbm4b:s1+s3] =	stream.linear.scatter [tilespmem:s15], [sflag:$0x4], $0x8000, $0x38;
	[tilespmem:$0x1E400] =	vst v63  }
0x7a: {  	_ =	swait.ge [sflag:s22], $0x4000  }
0x7b: {  	[sflag:s22] =	ssyncset.done $0x0  }
0x7c: {  	[sflag:s22] =	ssyncadd.s32 $0xFFFFC000  }
0x7d: {  	_ =	swait.ge [sflag:s22], $0x4000  }
0x7e: {  	[sflag:s22] =	ssyncset.done $0x0  }
0x7f: {  	[sflag:s22] =	ssyncadd.s32 $0xFFFFC000  }
0x80: {  	_ =	swait.ge [sflag:s31], $0x8000  }
0x81: {  	[sflag:s31] =	ssyncset.done $0x0  }
.Ltmp0:
0x82: {  	s6 =	sadd.s32 $0x500, s4;
	[sflag:s31] =	ssyncadd.s32 $0xFFFF8000;
	(pc) =	sbr.rel @p0 .LBB2_2-.Ltmp0, $4  }
0x83: {  	[tilespmem:s24], [sflag:$0x3] =	stream.indirect.gather [hbm4b:s2+s14], $0x80, s6, s14, $0xb8;
	[tilespmem:$0x1E400] =	vst v63  }
0x84: {  	s4 =	sadd.s32 $0x580, s4  }
0x85: {  	[tilespmem:s26], [sflag:$0x3] =	stream.indirect.gather [hbm4b:s2+s14], $0x80, s4, s14, $0xb8;
	[tilespmem:$0x1E400] =	vst v63  }
0x86: {  	s25 =	sadd.s32 $0x3000, s25;
	s23 =	sadd.s32 $0x3000, s23;
	s1 =	sadd.s32 $0x3000, s1  }
0x87: {  	[hbm4b:s11+s3] =	stream.linear.scatter [tilespmem:s19], [sflag:$0x5], $0x8000, $0x38;
	[tilespmem:$0x1E400] =	vst v63  }
0x88: {  	_ =	swait.ge [sflag:s28], $0x4000  }
0x89: {  	[sflag:s28] =	ssyncset.done $0x0  }
0x8a: {  	[sflag:s28] =	ssyncadd.s32 $0xFFFFC000  }
0x8b: {  	_ =	swait.ge [sflag:s28], $0x4000  }
0x8c: {  	[sflag:s28] =	ssyncset.done $0x0  }
0x8d: {  	[sflag:s28] =	ssyncadd.s32 $0xFFFFC000  }
0x8e: {  	_ =	swait.ge [sflag:s29], $0x8000  }
0x8f: {  	[sflag:s29] =	ssyncset.done $0x0  }
0x90: {  	s1 =	simm.s32 $0x6300;
	[sflag:s29] =	ssyncadd.s32 $0xFFFF8000  }
0x91: {  	[tilespmem:s15], [sflag:$0x1] =	stream.indirect.gather [hbm4b:s2+s14], $0x80, s1, s14, $0xb8;
	[tilespmem:$0x1E400] =	vst v63  }
0x92: {  	s25 =	simm.s32 $0x6380  }
0x93: {  	[tilespmem:s16], [sflag:$0x1] =	stream.indirect.gather [hbm4b:s2+s14], $0x80, s25, s14, $0xb8;
	[tilespmem:$0x1E400] =	vst v63  }
0x94: {  	_ = 	snop  }
0x95: {  	[hbm4b:s7+s3] =	stream.linear.scatter [tilespmem:s24], [sflag:$0x6], $0x8000, $0x38;
	[tilespmem:$0x1E400] =	vst v63  }
0x96: {  	_ =	swait.ge [sflag:s17], $0x4000  }
0x97: {  	[sflag:s17] =	ssyncset.done $0x0  }
0x98: {  	[sflag:s17] =	ssyncadd.s32 $0xFFFFC000  }
0x99: {  	_ =	swait.ge [sflag:s17], $0x4000  }
0x9a: {  	[sflag:s17] =	ssyncset.done $0x0  }
0x9b: {  	[sflag:s17] =	ssyncadd.s32 $0xFFFFC000  }
0x9c: {  	_ =	swait.ge [sflag:s30], $0x8000  }
0x9d: {  	[sflag:s30] =	ssyncset.done $0x0  }
0x9e: {  	s18 =	sadd.s32 $0x1, s18;
	[sflag:s30] =	ssyncadd.s32 $0xFFFF8000  }
0x9f: {  	[hbm4b:s8+s3] =	stream.linear.scatter [tilespmem:s15], [sflag:$0x4], $0x8000, $0x38;
	[tilespmem:$0x1E400] =	vst v63  }
0xa0: {  	p0 =	sne.s32 s18, s9;
	_ =	swait.ge [sflag:s31], $0x8000  }
.Ltmp1:
0xa1: {  	[sflag:s31] =	ssyncset.done $0x0;
	(pc) =	sbr.rel @p0 .LBB2_1-.Ltmp1, $4  }
0xa2: {  	[sflag:s31] =	ssyncadd.s32 $0xFFFF8000  }
0xa3: {  	_ =	swait.ge [sflag:s29], $0x8000  }
0xa4: {  	[sflag:s29] =	ssyncset.done $0x0  }
0xa5: {  	[sflag:s29] =	ssyncadd.s32 $0xFFFF8000  }
0xa6: {  	_ =	sfence.sel $0x180000  }
0xa7: {  	[bflag:$0x0] =	sbarrier.arrive $0xFFFF  }
0xa8: {  	_ =	strace $0x90000047  }
0xa9: {  	s0 =	stileid.u32;
	[bflag:$0x2] =	sbarrier.arrive $0xFFFF  }
0xaa: {  	p0 =	sne.s32 s0, $0x0;
	s0 =	rddreg [dreg:$0x3]  }
0xab: {  	s0 =	sadd.s32 @!p0 $0x100000, s0  }
0xac: {  	[sflag:s0] =	ssyncadd.tile.s32 @!p0 $0x1;
	_ =	shalt  }
.Lfunc_end2:
_tile_overlayer_lowered:
.L_overlay_start_2:
0xad: {  	(tag) =	ssettag $0x2  }
0xae: {  	s0 =	rddreg [dreg:$0x0];
	s2 =	stileid.u32  }
0xaf: {  	s1 =	rddreg [dreg:$0x1];
	p0 =	sne.s32 s2, $0x0  }
0xb0: {  	s3 =	rddreg [dreg:$0x2];
	[bflag:$0x3] =	sbarrier.arrive $0xFFFF;
	s2 =	simm.s32 @!p0 $0x1C07  }
0xb1: {  	[timem:s3], [sflag:s2] =	dma.local @!p0 [hbm:s0], s1  }
0xb2: {  	s0 =	simm.s32 @!p0 $0x7  }
0xb3: {  	_ =	swait.ge @!p0 [sflag:s0], s1  }
0xb4: {  	s1 =	ssub.s32 @!p0 $0x0, s1;
	[sflag:s0] =	ssyncset.done @!p0 $0x0  }
0xb5: {  	[sflag:s0] =	ssyncadd.s32 @!p0 s1  }
0xb6: {  	[bflag:$0x3] =	sbarrier.arrive $0xFFFF  }
0xb7: {  	_ =	shalt  }

</sc_bundles>
